<compile_context>
chip_gen: v7x
topology: tpu7x:2x2x1
jax: 0.10.2.dev20260603
libtpu: 0.0.44.dev20260713+nightly
codegen_flags: <defaults>
</compile_context>

<pallas_src>
import jax
import jax.numpy as jnp
from jax import lax
from jax.experimental import pallas as pl
from jax.experimental.pallas import tpu as pltpu
from jax.experimental.pallas import tpu_sc as plsc

N = 10000
E = 160000
G = 64
IN_F = 256
HID_F = 512
OUT_F = 512

NC = 2
NS = 16
NW = NC * NS
L = 16

EPT = E // NW
DK = 100
DCH = EPT // DK
DEG_PAD = 10240
DZR = DEG_PAD // NS


def _deg_body(dst_hbm, out_hbm, deg_acc, didx, ones_v, zbuf):
    c = lax.axis_index("c")
    s = lax.axis_index("s")
    wid = s * NC + c
    pltpu.sync_copy(dst_hbm.at[wid], didx)

    @pl.loop(0, DZR // L)
    def _z(i):
        zbuf[pl.ds(i * L, L)] = jnp.zeros((L,), jnp.float32)

    @pl.loop(0, 112 // L)
    def _o(i):
        ones_v[pl.ds(i * L, L)] = jnp.ones((L,), jnp.float32)

    pltpu.sync_copy(zbuf, deg_acc.at[pl.ds(s * DZR, DZR)])
    plsc.subcore_barrier()

    @pl.loop(0, DCH)
    def _scat(j):
        pltpu.sync_copy(ones_v.at[pl.ds(0, DK)],
                        deg_acc.at[didx.at[j]], add=True)

    plsc.subcore_barrier()
    pltpu.sync_copy(deg_acc.at[pl.ds(s * DZR, DZR)],
                    out_hbm.at[c, pl.ds(s * DZR, DZR)])


def _deg_call(dst_r):
    mesh = plsc.VectorSubcoreMesh(core_axis_name="c", subcore_axis_name="s")
    return pl.kernel(
        _deg_body,
        out_type=jax.ShapeDtypeStruct((NC, DEG_PAD), jnp.float32),
        mesh=mesh,
        scratch_types=[
            pltpu.VMEM_SHARED((DEG_PAD,), jnp.float32),
            pltpu.VMEM((DCH, DK), jnp.int32),
            pltpu.VMEM((112,), jnp.float32),
            pltpu.VMEM((DZR,), jnp.float32),
        ],
    )(dst_r)


RB = 1000
NBLK = N // RB


def _prescale_body(parts_ref, x_ref, xsa_ref, xsb_ref):
    deg = jnp.sum(parts_ref[0], axis=0) + 1.0
    dinv = lax.rsqrt(deg)
    xs = x_ref[...] * dinv[:, None]
    xsa_ref[...] = xs[:, :128]
    xsb_ref[...] = xs[:, 128:]


def _prescale_call(deg_parts, x):
    return pl.pallas_call(
        _prescale_body,
        grid=(NBLK,),
        in_specs=[
            pl.BlockSpec((1, NC, RB), lambda i: (i, 0, 0)),
            pl.BlockSpec((RB, IN_F), lambda i: (i, 0)),
        ],
        out_specs=[
            pl.BlockSpec((RB, 128), lambda i: (i, 0)),
            pl.BlockSpec((RB, 128), lambda i: (i, 0)),
        ],
        out_shape=[
            jax.ShapeDtypeStruct((N, 128), jnp.float32),
            jax.ShapeDtypeStruct((N, 128), jnp.float32),
        ],
    )(deg_parts, x)


EK = 80
CPG = 25
NG = (E // NS) // (CPG * EK)
AN = 10240
RPT = AN // NS
ZR = 16


def _agg_body(src_hbm, dst_hbm, xsa_hbm, xsb_hbm, ax_hbm,
              acc, zbuf, sidx, didx, buf, sem):
    c = lax.axis_index("c")
    s = lax.axis_index("s")

    @pl.loop(0, ZR)
    def _zrow(r):
        for k in range(128 // L):
            zbuf[r, pl.ds(k * L, L)] = jnp.zeros((L,), jnp.float32)

    @pl.loop(0, RPT // ZR)
    def _zacc(b):
        pltpu.sync_copy(zbuf, acc.at[pl.ds(s * RPT + b * ZR, ZR)])

    plsc.subcore_barrier()

    def run(xs_hbm):
        @pl.loop(0, NG)
        def _grp(g):
            pltpu.sync_copy(src_hbm.at[s, g], sidx)
            pltpu.sync_copy(dst_hbm.at[s, g], didx)

            @pl.loop(0, CPG)
            def _edge(j):
                pltpu.async_copy(xs_hbm.at[sidx.at[j]], buf, sem).wait()
                pltpu.sync_copy(buf, acc.at[didx.at[j]], add=True)

    @pl.when(c == 0)
    def _():
        run(xsa_hbm)

    @pl.when(c == 1)
    def _():
        run(xsb_hbm)

    plsc.subcore_barrier()
    pltpu.sync_copy(acc.at[pl.ds(s * RPT, RPT)],
                    ax_hbm.at[c, pl.ds(s * RPT, RPT)])


def _agg_call(src_r, dst_r, xs_a, xs_b):
    mesh = plsc.VectorSubcoreMesh(core_axis_name="c", subcore_axis_name="s")
    return pl.kernel(
        _agg_body,
        out_type=jax.ShapeDtypeStruct((NC, AN, 128), jnp.float32),
        mesh=mesh,
        scratch_types=[
            pltpu.VMEM_SHARED((AN, 128), jnp.float32),
            pltpu.VMEM((ZR, 128), jnp.float32),
            pltpu.VMEM((CPG, EK), jnp.int32),
            pltpu.VMEM((CPG, EK), jnp.int32),
            pltpu.VMEM((EK, 128), jnp.float32),
            pltpu.SemaphoreType.DMA,
        ],
    )(src_r, dst_r, xs_a, xs_b)


def _tail_body(parts_ref, axa_ref, axb_ref, xsa_ref, xsb_ref,
               batch_blk_ref, batch_full_ref,
               W1_ref, b1_ref, W2_ref, b2_ref,
               node_ref, graph_ref, pool_acc):
    i = pl.program_id(0)
    deg = jnp.sum(parts_ref[0], axis=0) + 1.0
    dinv = lax.rsqrt(deg)
    agg_a = (axa_ref[...] + xsa_ref[...]) * dinv[:, None]
    agg_b = (axb_ref[...] + xsb_ref[...]) * dinv[:, None]
    agg = jnp.concatenate([agg_a, agg_b], axis=1)
    h = jnp.dot(agg, W1_ref[...], preferred_element_type=jnp.float32)
    h = jnp.tanh(h + b1_ref[...])
    node_ref[...] = h

    bblk = batch_blk_ref[0, 0, :]
    gids = lax.broadcasted_iota(jnp.int32, (G, RB), 0)
    P = (bblk[None, :] == gids).astype(jnp.float32)
    part = jnp.dot(P, h, preferred_element_type=jnp.float32)

    @pl.when(i == 0)
    def _():
        pool_acc[...] = part

    @pl.when(i > 0)
    def _():
        pool_acc[...] += part

    @pl.when(i == NBLK - 1)
    def _():
        bf = batch_full_ref[0, :]
        gall = lax.broadcasted_iota(jnp.int32, (G, N), 0)
        cnt = jnp.sum((bf[None, :] == gall).astype(jnp.float32), axis=1)
        mean = pool_acc[...] / jnp.maximum(cnt, 1.0)[:, None]
        g = jnp.dot(mean, W2_ref[...], preferred_element_type=jnp.float32)
        graph_ref[...] = jnp.tanh(g + b2_ref[...])


def _tail_call(deg_parts, ax_a, ax_b, xs_a, xs_b, batch, W1, b1, W2, b2):
    batch_blk = batch.reshape(NBLK, 1, RB)
    batch_full = batch.reshape(1, N)
    return pl.pallas_call(
        _tail_body,
        grid=(NBLK,),
        in_specs=[
            pl.BlockSpec((1, NC, RB), lambda i: (i, 0, 0)),
            pl.BlockSpec((RB, 128), lambda i: (i, 0)),
            pl.BlockSpec((RB, 128), lambda i: (i, 0)),
            pl.BlockSpec((RB, 128), lambda i: (i, 0)),
            pl.BlockSpec((RB, 128), lambda i: (i, 0)),
            pl.BlockSpec((1, 1, RB), lambda i: (i, 0, 0)),
            pl.BlockSpec((1, N), lambda i: (0, 0)),
            pl.BlockSpec((IN_F, HID_F), lambda i: (0, 0)),
            pl.BlockSpec((1, HID_F), lambda i: (0, 0)),
            pl.BlockSpec((HID_F, OUT_F), lambda i: (0, 0)),
            pl.BlockSpec((1, OUT_F), lambda i: (0, 0)),
        ],
        out_specs=[
            pl.BlockSpec((RB, HID_F), lambda i: (i, 0)),
            pl.BlockSpec((G, OUT_F), lambda i: (0, 0)),
        ],
        out_shape=[
            jax.ShapeDtypeStruct((N, HID_F), jnp.float32),
            jax.ShapeDtypeStruct((G, OUT_F), jnp.float32),
        ],
        scratch_shapes=[pltpu.VMEM((G, HID_F), jnp.float32)],
    )(deg_parts, ax_a, ax_b, xs_a, xs_b, batch_blk, batch_full,
      W1, b1.reshape(1, HID_F), W2, b2.reshape(1, OUT_F))


def kernel(x, edge_index, batch, W1, b1, W2, b2):
    src = edge_index[0].astype(jnp.int32)
    dst = edge_index[1].astype(jnp.int32)

    deg_parts = _deg_call(dst.reshape(NW, DCH, DK))
    deg_parts_t = deg_parts[:, :N].reshape(NC, NBLK, RB).transpose(1, 0, 2)

    xs_a, xs_b = _prescale_call(deg_parts_t, x)

    src_r = src.reshape(NS, NG, CPG, EK)
    dst_r = dst.reshape(NS, NG, CPG, EK)
    ax = _agg_call(src_r, dst_r, xs_a, xs_b)

    node, graph = _tail_call(deg_parts_t, ax[0, :N], ax[1, :N], xs_a, xs_b,
                             batch.astype(jnp.int32), W1, b1, W2, b2)
    return (graph, node)

# --- scband reference (transcript-rebuilt; emitter-appended) ---
"""Pipeline reference for scband-stage1-gcn-encoder-3298534883879 (READ-ONLY COPY).

The authoritative reference and input builder live on the scoring server;
editing this copy changes nothing except your own understanding.
"""

import jax, jax.numpy as jnp
import numpy as np

N = 10000
E = 160000
NUM_GRAPHS = 64
IN_F, HID_F, OUT_F = 256, 512, 512


def setup_inputs(seed: int = 0) -> dict:
    key = jax.random.key(seed)
    k1, k2, k3, k4, k5, k6, k7 = jax.random.split(key, 7)
    x = jax.random.normal(k1, (N, IN_F), dtype=jnp.float32)
    edge_index = jax.random.randint(k2, (2, E), 0, N)
    batch = jnp.sort(jax.random.randint(k3, (N,), 0, NUM_GRAPHS))
    # GCNConv params (glorot-ish init)
    W1 = jax.random.normal(k4, (IN_F, HID_F), dtype=jnp.float32) * (1.0 / np.sqrt(IN_F))
    b1 = jnp.zeros((HID_F,), dtype=jnp.float32)
    # Linear params
    W2 = jax.random.normal(k5, (HID_F, OUT_F), dtype=jnp.float32) * (1.0 / np.sqrt(HID_F))
    b2 = jax.random.normal(k6, (OUT_F,), dtype=jnp.float32) * 0.01
    return {"x": x, "edge_index": edge_index, "batch": batch,
            "W1": W1, "b1": b1, "W2": W2, "b2": b2}


def _gcn_conv(x, edge_index, W, b):
    n = x.shape[0]
    src = edge_index[0]
    dst = edge_index[1]
    # add self loops (PyG GCNConv default)
    loop = jnp.arange(n, dtype=src.dtype)
    src = jnp.concatenate([src, loop])
    dst = jnp.concatenate([dst, loop])
    # symmetric normalization D^{-1/2} (A+I) D^{-1/2}
    deg = jnp.zeros((n,), dtype=x.dtype).at[dst].add(1.0)
    dinv = jnp.where(deg > 0, 1.0 / jnp.sqrt(deg), 0.0)
    norm = dinv[src] * dinv[dst]
    h = x @ W
    msg = h[src] * norm[:, None]
    out = jnp.zeros((n, h.shape[1]), dtype=x.dtype).at[dst].add(msg)
    return out + b


def _global_mean_pool(x, batch, num_graphs):
    sums = jax.ops.segment_sum(x, batch, num_segments=num_graphs)
    cnts = jax.ops.segment_sum(jnp.ones((x.shape[0],), dtype=x.dtype), batch,
                               num_segments=num_graphs)
    return sums / jnp.maximum(cnts, 1.0)[:, None]


def reference(x, edge_index, batch, W1, b1, W2, b2):
    h = _gcn_conv(x, edge_index, W1, b1)
    h = jnp.tanh(h)
    node_embeddings = h
    graph_embeddings = _global_mean_pool(h, batch, NUM_GRAPHS)
    graph_embeddings = graph_embeddings @ W2 + b2
    graph_embeddings = jnp.tanh(graph_embeddings)
    return (graph_embeddings, node_embeddings)

if __name__ == "__main__":
    import jax
    _d = setup_inputs()
    print(jax.jit(kernel)(*tuple(_d.values())))

</pallas_src>

<mosaic_0001>
#map = affine_map<(d0, d1) -> (0, 0, 0, 0)>
#map1 = affine_map<(d0, d1) -> (0, 0)>
#map2 = affine_map<(d0, d1) -> (0, 0, 0)>
module attributes {stable_mosaic.version = 14 : i64} {
  func.func @_agg_body(%arg0: i32, %arg1: i32, %arg2: memref<16x5x25x80xi32, #tpu.memory_space<hbm>>, %arg3: memref<16x5x25x80xi32, #tpu.memory_space<hbm>>, %arg4: memref<10000x128xf32, #tpu.memory_space<hbm>>, %arg5: memref<10000x128xf32, #tpu.memory_space<hbm>>, %arg6: memref<2x10240x128xf32, #tpu.memory_space<hbm>>, %arg7: memref<10240x128xf32, #tpu.memory_space<vmem_shared>>, %arg8: memref<16x128xf32, #tpu.memory_space<vmem>>, %arg9: memref<25x80xi32, #tpu.memory_space<vmem>>, %arg10: memref<25x80xi32, #tpu.memory_space<vmem>>, %arg11: memref<80x128xf32, #tpu.memory_space<vmem>>, %arg12: memref<!tpu.dma_semaphore, #tpu.memory_space<semaphore_mem>>) attributes {dimension_semantics = [#tpu.dimension_semantics<core_parallel>, #tpu.dimension_semantics<subcore_parallel>], iteration_bounds = array<i64: 2, 16>, scalar_prefetch = 0 : i64, scratch_operands = 6 : i64, tpu.core_type = #tpu.core_type<sc_vector_subcore>, window_params = [{transform_indices = #map}, {transform_indices = #map}, {transform_indices = #map1}, {transform_indices = #map1}, {transform_indices = #map2}]} {
    %scan3A = arith.constant 0 : i32
    %scan3A_0 = arith.constant 16 : i32
    %scan3A_1 = arith.addi %scan3A, %scan3A_0 : i32
    %scan3A_2 = arith.constant 1 : i32
    scf.for %scan3A_20 = %scan3A to %scan3A_1 step %scan3A_2  : i32 {
      %mul3A_21 = arith.constant 1 : i32
      %mul3A_22 = arith.muli %scan3A_20, %mul3A_21 : i32
      %add3A = arith.constant 0 : i32
      %add3A_23 = arith.addi %add3A, %mul3A_22 : i32
      %broadcast_in_dim3A = arith.constant 0.000000e+00 : f32
      %broadcast_in_dim3A_24 = vector.broadcast %broadcast_in_dim3A : f32 to vector<16xf32>
      %swap3A = arith.index_cast %add3A_23 : i32 to index
      %swap3A_25 = arith.constant 0 : index
      %swap3A_26 = tpu.vector_load %arg8[%swap3A, %swap3A_25] {strides = array<i32>} : memref<16x128xf32, #tpu.memory_space<vmem>>, vector<1x16xf32>,
      %swap3A_27 = vector.shape_cast %swap3A_26 : vector<1x16xf32> to vector<16xf32>
      %swap3A_28 = vector.shape_cast %broadcast_in_dim3A_24 : vector<16xf32> to vector<1x16xf32>
      tpu.vector_store %arg8[%swap3A, %swap3A_25], %swap3A_28 {strides = array<i32>} : memref<16x128xf32, #tpu.memory_space<vmem>>, vector<1x16xf32>,
      %broadcast_in_dim3A_29 = arith.constant 0.000000e+00 : f32
      %broadcast_in_dim3A_30 = vector.broadcast %broadcast_in_dim3A_29 : f32 to vector<16xf32>
      %swap3A_31 = arith.index_cast %add3A_23 : i32 to index
      %swap3A_32 = arith.constant 16 : index
      %swap3A_33 = tpu.vector_load %arg8[%swap3A_31, %swap3A_32] {strides = array<i32>} : memref<16x128xf32, #tpu.memory_space<vmem>>, vector<1x16xf32>,
      %swap3A_34 = vector.shape_cast %swap3A_33 : vector<1x16xf32> to vector<16xf32>
      %swap3A_35 = vector.shape_cast %broadcast_in_dim3A_30 : vector<16xf32> to vector<1x16xf32>
      tpu.vector_store %arg8[%swap3A_31, %swap3A_32], %swap3A_35 {strides = array<i32>} : memref<16x128xf32, #tpu.memory_space<vmem>>, vector<1x16xf32>,
      %broadcast_in_dim3A_36 = arith.constant 0.000000e+00 : f32
      %broadcast_in_dim3A_37 = vector.broadcast %broadcast_in_dim3A_36 : f32 to vector<16xf32>
      %swap3A_38 = arith.index_cast %add3A_23 : i32 to index
      %swap3A_39 = arith.constant 32 : index
      %swap3A_40 = tpu.vector_load %arg8[%swap3A_38, %swap3A_39] {strides = array<i32>} : memref<16x128xf32, #tpu.memory_space<vmem>>, vector<1x16xf32>,
      %swap3A_41 = vector.shape_cast %swap3A_40 : vector<1x16xf32> to vector<16xf32>
      %swap3A_42 = vector.shape_cast %broadcast_in_dim3A_37 : vector<16xf32> to vector<1x16xf32>
      tpu.vector_store %arg8[%swap3A_38, %swap3A_39], %swap3A_42 {strides = array<i32>} : memref<16x128xf32, #tpu.memory_space<vmem>>, vector<1x16xf32>,
      %broadcast_in_dim3A_43 = arith.constant 0.000000e+00 : f32
      %broadcast_in_dim3A_44 = vector.broadcast %broadcast_in_dim3A_43 : f32 to vector<16xf32>
      %swap3A_45 = arith.index_cast %add3A_23 : i32 to index
      %swap3A_46 = arith.constant 48 : index
      %swap3A_47 = tpu.vector_load %arg8[%swap3A_45, %swap3A_46] {strides = array<i32>} : memref<16x128xf32, #tpu.memory_space<vmem>>, vector<1x16xf32>,
      %swap3A_48 = vector.shape_cast %swap3A_47 : vector<1x16xf32> to vector<16xf32>
      %swap3A_49 = vector.shape_cast %broadcast_in_dim3A_44 : vector<16xf32> to vector<1x16xf32>
      tpu.vector_store %arg8[%swap3A_45, %swap3A_46], %swap3A_49 {strides = array<i32>} : memref<16x128xf32, #tpu.memory_space<vmem>>, vector<1x16xf32>,
      %broadcast_in_dim3A_50 = arith.constant 0.000000e+00 : f32
      %broadcast_in_dim3A_51 = vector.broadcast %broadcast_in_dim3A_50 : f32 to vector<16xf32>
      %swap3A_52 = arith.index_cast %add3A_23 : i32 to index
      %swap3A_53 = arith.constant 64 : index
      %swap3A_54 = tpu.vector_load %arg8[%swap3A_52, %swap3A_53] {strides = array<i32>} : memref<16x128xf32, #tpu.memory_space<vmem>>, vector<1x16xf32>,
      %swap3A_55 = vector.shape_cast %swap3A_54 : vector<1x16xf32> to vector<16xf32>
      %swap3A_56 = vector.shape_cast %broadcast_in_dim3A_51 : vector<16xf32> to vector<1x16xf32>
      tpu.vector_store %arg8[%swap3A_52, %swap3A_53], %swap3A_56 {strides = array<i32>} : memref<16x128xf32, #tpu.memory_space<vmem>>, vector<1x16xf32>,
      %broadcast_in_dim3A_57 = arith.constant 0.000000e+00 : f32
      %broadcast_in_dim3A_58 = vector.broadcast %broadcast_in_dim3A_57 : f32 to vector<16xf32>
      %swap3A_59 = arith.index_cast %add3A_23 : i32 to index
      %swap3A_60 = arith.constant 80 : index
      %swap3A_61 = tpu.vector_load %arg8[%swap3A_59, %swap3A_60] {strides = array<i32>} : memref<16x128xf32, #tpu.memory_space<vmem>>, vector<1x16xf32>,
      %swap3A_62 = vector.shape_cast %swap3A_61 : vector<1x16xf32> to vector<16xf32>
      %swap3A_63 = vector.shape_cast %broadcast_in_dim3A_58 : vector<16xf32> to vector<1x16xf32>
      tpu.vector_store %arg8[%swap3A_59, %swap3A_60], %swap3A_63 {strides = array<i32>} : memref<16x128xf32, #tpu.memory_space<vmem>>, vector<1x16xf32>,
      %broadcast_in_dim3A_64 = arith.constant 0.000000e+00 : f32
      %broadcast_in_dim3A_65 = vector.broadcast %broadcast_in_dim3A_64 : f32 to vector<16xf32>
      %swap3A_66 = arith.index_cast %add3A_23 : i32 to index
      %swap3A_67 = arith.constant 96 : index
      %swap3A_68 = tpu.vector_load %arg8[%swap3A_66, %swap3A_67] {strides = array<i32>} : memref<16x128xf32, #tpu.memory_space<vmem>>, vector<1x16xf32>,
      %swap3A_69 = vector.shape_cast %swap3A_68 : vector<1x16xf32> to vector<16xf32>
      %swap3A_70 = vector.shape_cast %broadcast_in_dim3A_65 : vector<16xf32> to vector<1x16xf32>
      tpu.vector_store %arg8[%swap3A_66, %swap3A_67], %swap3A_70 {strides = array<i32>} : memref<16x128xf32, #tpu.memory_space<vmem>>, vector<1x16xf32>,
      %broadcast_in_dim3A_71 = arith.constant 0.000000e+00 : f32
      %broadcast_in_dim3A_72 = vector.broadcast %broadcast_in_dim3A_71 : f32 to vector<16xf32>
      %swap3A_73 = arith.index_cast %add3A_23 : i32 to index
      %swap3A_74 = arith.constant 112 : index
      %swap3A_75 = tpu.vector_load %arg8[%swap3A_73, %swap3A_74] {strides = array<i32>} : memref<16x128xf32, #tpu.memory_space<vmem>>, vector<1x16xf32>,
      %swap3A_76 = vector.shape_cast %swap3A_75 : vector<1x16xf32> to vector<16xf32>
      %swap3A_77 = vector.shape_cast %broadcast_in_dim3A_72 : vector<16xf32> to vector<1x16xf32>
      tpu.vector_store %arg8[%swap3A_73, %swap3A_74], %swap3A_77 {strides = array<i32>} : memref<16x128xf32, #tpu.memory_space<vmem>>, vector<1x16xf32>,
    }
    %scan3A_3 = arith.constant 16 : i32
    %scan3A_4 = arith.constant 0 : i32
    %scan3A_5 = arith.constant 40 : i32
    %scan3A_6 = arith.addi %scan3A_4, %scan3A_5 : i32
    %scan3A_7 = arith.constant 1 : i32
    scf.for %scan3A_20 = %scan3A_4 to %scan3A_6 step %scan3A_7  : i32 {
      %mul3A_21 = arith.constant 1 : i32
      %mul3A_22 = arith.muli %scan3A_20, %mul3A_21 : i32
      %add3A = arith.constant 0 : i32
      %add3A_23 = arith.addi %add3A, %mul3A_22 : i32
      %mul3A_24 = arith.constant 640 : i32
      %mul3A_25 = arith.muli %arg1, %mul3A_24 : i32
      %mul3A_26 = arith.constant 16 : i32
      %mul3A_27 = arith.muli %add3A_23, %mul3A_26 : i32
      %add3A_28 = arith.addi %mul3A_25, %mul3A_27 : i32
      "tpu.region"() ({
        %run_scoped3A = tpu.sem_alloc : memref<!tpu.dma_semaphore, #tpu.memory_space<semaphore_mem>>
        %dma_start3A = arith.constant 0 : i32
        %dma_start3A_29 = tpu.memref_slice %arg7[%add3A_28, %dma_start3A] : memref<10240x128xf32, #tpu.memory_space<vmem_shared>> -> memref<16x128xf32, #tpu.memory_space<vmem_shared>>
        %dma_start3A_30 = arith.constant 0 : i32
        %dma_start3A_31 = tpu.memref_slice %arg7[%add3A_28, %dma_start3A_30] : memref<10240x128xf32, #tpu.memory_space<vmem_shared>> -> memref<16x128xf32, #tpu.memory_space<vmem_shared>>
        tpu.enqueue_dma source(%arg8 : memref<16x128xf32, #tpu.memory_space<vmem>>) target(%dma_start3A_31 : memref<16x128xf32, #tpu.memory_space<vmem_shared>>) target_semaphore(%run_scoped3A : memref<!tpu.dma_semaphore, #tpu.memory_space<semaphore_mem>>)
        %dma_wait3A = arith.constant 0 : i32
        %dma_wait3A_32 = tpu.memref_slice %arg7[%add3A_28, %dma_wait3A] : memref<10240x128xf32, #tpu.memory_space<vmem_shared>> -> memref<16x128xf32, #tpu.memory_space<vmem_shared>>
        %dma_wait3A_33 = arith.constant 0 : i32
        %dma_wait3A_34 = tpu.memref_slice %arg7[%add3A_28, %dma_wait3A_33] : memref<10240x128xf32, #tpu.memory_space<vmem_shared>> -> memref<16x128xf32, #tpu.memory_space<vmem_shared>>
        tpu.wait_dma2 semaphore(%run_scoped3A : memref<!tpu.dma_semaphore, #tpu.memory_space<semaphore_mem>>) src(%arg8 : memref<16x128xf32, #tpu.memory_space<vmem>>) dst(%dma_wait3A_34 : memref<16x128xf32, #tpu.memory_space<vmem_shared>>)
        tpu.yield
      }) : () -> ()
    }
    %scan3A_8 = arith.constant 40 : i32
    %barrier3A = arith.constant 0 : index
    tpu.barrier barrier_id(%barrier3A)
    %eq3A = arith.constant 0 : i32
    %eq3A_9 = arith.cmpi eq, %arg0, %eq3A : i32
    %convert_element_type3A = arith.extui %eq3A_9 : i1 to i32
    %cond3A = arith.constant 0 : i32
    %cond3A_10 = arith.cmpi ne, %convert_element_type3A, %cond3A : i32
    scf.if %cond3A_10 {
      %scan3A_20 = arith.constant 0 : i32
      %scan3A_21 = arith.constant 5 : i32
      %scan3A_22 = arith.addi %scan3A_20, %scan3A_21 : i32
      %scan3A_23 = arith.constant 1 : i32
      scf.for %scan3A_25 = %scan3A_20 to %scan3A_22 step %scan3A_23  : i32 {
        %mul3A_26 = arith.constant 1 : i32
        %mul3A_27 = arith.muli %scan3A_25, %mul3A_26 : i32
        %add3A = arith.constant 0 : i32
        %add3A_28 = arith.addi %add3A, %mul3A_27 : i32
        "tpu.region"() ({
          %run_scoped3A = tpu.sem_alloc : memref<!tpu.dma_semaphore, #tpu.memory_space<semaphore_mem>>
          %dma_start3A = arith.constant 0 : i32
          %dma_start3A_34 = arith.constant 0 : i32
          %dma_start3A_35 = tpu.memref_slice %arg2[%arg1, %add3A_28, %dma_start3A, %dma_start3A_34] : memref<16x5x25x80xi32, #tpu.memory_space<hbm>> -> memref<1x1x25x80xi32, #tpu.memory_space<hbm>>
          %dma_start3A_36 = tpu.memref_squeeze %dma_start3A_35 : memref<1x1x25x80xi32, #tpu.memory_space<hbm>> -> memref<25x80xi32, #tpu.memory_space<hbm>>
          %dma_start3A_37 = arith.constant 0 : i32
          %dma_start3A_38 = arith.constant 0 : i32
          %dma_start3A_39 = tpu.memref_slice %arg2[%arg1, %add3A_28, %dma_start3A_37, %dma_start3A_38] : memref<16x5x25x80xi32, #tpu.memory_space<hbm>> -> memref<1x1x25x80xi32, #tpu.memory_space<hbm>>
          %dma_start3A_40 = tpu.memref_squeeze %dma_start3A_39 : memref<1x1x25x80xi32, #tpu.memory_space<hbm>> -> memref<25x80xi32, #tpu.memory_space<hbm>>
          tpu.enqueue_dma source(%dma_start3A_40 : memref<25x80xi32, #tpu.memory_space<hbm>>) target(%arg9 : memref<25x80xi32, #tpu.memory_space<vmem>>) target_semaphore(%run_scoped3A : memref<!tpu.dma_semaphore, #tpu.memory_space<semaphore_mem>>)
          %dma_wait3A = arith.constant 0 : i32
          %dma_wait3A_41 = arith.constant 0 : i32
          %dma_wait3A_42 = tpu.memref_slice %arg2[%arg1, %add3A_28, %dma_wait3A, %dma_wait3A_41] : memref<16x5x25x80xi32, #tpu.memory_space<hbm>> -> memref<1x1x25x80xi32, #tpu.memory_space<hbm>>
          %dma_wait3A_43 = tpu.memref_squeeze %dma_wait3A_42 : memref<1x1x25x80xi32, #tpu.memory_space<hbm>> -> memref<25x80xi32, #tpu.memory_space<hbm>>
          %dma_wait3A_44 = arith.constant 0 : i32
          %dma_wait3A_45 = arith.constant 0 : i32
          %dma_wait3A_46 = tpu.memref_slice %arg2[%arg1, %add3A_28, %dma_wait3A_44, %dma_wait3A_45] : memref<16x5x25x80xi32, #tpu.memory_space<hbm>> -> memref<1x1x25x80xi32, #tpu.memory_space<hbm>>
          %dma_wait3A_47 = tpu.memref_squeeze %dma_wait3A_46 : memref<1x1x25x80xi32, #tpu.memory_space<hbm>> -> memref<25x80xi32, #tpu.memory_space<hbm>>
          tpu.wait_dma2 semaphore(%run_scoped3A : memref<!tpu.dma_semaphore, #tpu.memory_space<semaphore_mem>>) src(%dma_wait3A_47 : memref<25x80xi32, #tpu.memory_space<hbm>>) dst(%arg9 : memref<25x80xi32, #tpu.memory_space<vmem>>)
          tpu.yield
        }) : () -> ()
        "tpu.region"() ({
          %run_scoped3A = tpu.sem_alloc : memref<!tpu.dma_semaphore, #tpu.memory_space<semaphore_mem>>
          %dma_start3A = arith.constant 0 : i32
          %dma_start3A_34 = arith.constant 0 : i32
          %dma_start3A_35 = tpu.memref_slice %arg3[%arg1, %add3A_28, %dma_start3A, %dma_start3A_34] : memref<16x5x25x80xi32, #tpu.memory_space<hbm>> -> memref<1x1x25x80xi32, #tpu.memory_space<hbm>>
          %dma_start3A_36 = tpu.memref_squeeze %dma_start3A_35 : memref<1x1x25x80xi32, #tpu.memory_space<hbm>> -> memref<25x80xi32, #tpu.memory_space<hbm>>
          %dma_start3A_37 = arith.constant 0 : i32
          %dma_start3A_38 = arith.constant 0 : i32
          %dma_start3A_39 = tpu.memref_slice %arg3[%arg1, %add3A_28, %dma_start3A_37, %dma_start3A_38] : memref<16x5x25x80xi32, #tpu.memory_space<hbm>> -> memref<1x1x25x80xi32, #tpu.memory_space<hbm>>
          %dma_start3A_40 = tpu.memref_squeeze %dma_start3A_39 : memref<1x1x25x80xi32, #tpu.memory_space<hbm>> -> memref<25x80xi32, #tpu.memory_space<hbm>>
          tpu.enqueue_dma source(%dma_start3A_40 : memref<25x80xi32, #tpu.memory_space<hbm>>) target(%arg10 : memref<25x80xi32, #tpu.memory_space<vmem>>) target_semaphore(%run_scoped3A : memref<!tpu.dma_semaphore, #tpu.memory_space<semaphore_mem>>)
          %dma_wait3A = arith.constant 0 : i32
          %dma_wait3A_41 = arith.constant 0 : i32
          %dma_wait3A_42 = tpu.memref_slice %arg3[%arg1, %add3A_28, %dma_wait3A, %dma_wait3A_41] : memref<16x5x25x80xi32, #tpu.memory_space<hbm>> -> memref<1x1x25x80xi32, #tpu.memory_space<hbm>>
          %dma_wait3A_43 = tpu.memref_squeeze %dma_wait3A_42 : memref<1x1x25x80xi32, #tpu.memory_space<hbm>> -> memref<25x80xi32, #tpu.memory_space<hbm>>
          %dma_wait3A_44 = arith.constant 0 : i32
          %dma_wait3A_45 = arith.constant 0 : i32
          %dma_wait3A_46 = tpu.memref_slice %arg3[%arg1, %add3A_28, %dma_wait3A_44, %dma_wait3A_45] : memref<16x5x25x80xi32, #tpu.memory_space<hbm>> -> memref<1x1x25x80xi32, #tpu.memory_space<hbm>>
          %dma_wait3A_47 = tpu.memref_squeeze %dma_wait3A_46 : memref<1x1x25x80xi32, #tpu.memory_space<hbm>> -> memref<25x80xi32, #tpu.memory_space<hbm>>
          tpu.wait_dma2 semaphore(%run_scoped3A : memref<!tpu.dma_semaphore, #tpu.memory_space<semaphore_mem>>) src(%dma_wait3A_47 : memref<25x80xi32, #tpu.memory_space<hbm>>) dst(%arg10 : memref<25x80xi32, #tpu.memory_space<vmem>>)
          tpu.yield
        }) : () -> ()
        %scan3A_29 = arith.constant 0 : i32
        %scan3A_30 = arith.constant 25 : i32
        %scan3A_31 = arith.addi %scan3A_29, %scan3A_30 : i32
        %scan3A_32 = arith.constant 1 : i32
        scf.for %scan3A_34 = %scan3A_29 to %scan3A_31 step %scan3A_32  : i32 {
          %mul3A_35 = arith.constant 1 : i32
          %mul3A_36 = arith.muli %scan3A_34, %mul3A_35 : i32
          %add3A_37 = arith.constant 0 : i32
          %add3A_38 = arith.addi %add3A_37, %mul3A_36 : i32
          %dma_start3A = arith.constant 0 : i32
          %dma_start3A_39 = tpu.memref_slice %arg9[%add3A_38, %dma_start3A] : memref<25x80xi32, #tpu.memory_space<vmem>> -> memref<1x80xi32, #tpu.memory_space<vmem>>
          %dma_start3A_40 = tpu.memref_squeeze %dma_start3A_39 : memref<1x80xi32, #tpu.memory_space<vmem>> -> memref<80xi32, #tpu.memory_space<vmem>>
          %dma_start3A_41 = arith.constant 0 : i32
          %dma_start3A_42 = arith.constant 0 : i32
          %dma_start3A_43 = tpu.memref_slice %arg4[%dma_start3A_41, %dma_start3A_42] : memref<10000x128xf32, #tpu.memory_space<hbm>> -> memref<10000x128xf32, #tpu.memory_space<hbm>>
          tpu.enqueue_indirect_dma source(%dma_start3A_43 : memref<10000x128xf32, #tpu.memory_space<hbm>>) target(%arg11 : memref<80x128xf32, #tpu.memory_space<vmem>>) offsets(%dma_start3A_40 : memref<80xi32, #tpu.memory_space<vmem>>) semaphore(%arg12 : memref<!tpu.dma_semaphore, #tpu.memory_space<semaphore_mem>>)
          %dma_wait3A = arith.constant 0 : i32
          %dma_wait3A_44 = tpu.memref_slice %arg9[%add3A_38, %dma_wait3A] : memref<25x80xi32, #tpu.memory_space<vmem>> -> memref<1x80xi32, #tpu.memory_space<vmem>>
          %dma_wait3A_45 = tpu.memref_squeeze %dma_wait3A_44 : memref<1x80xi32, #tpu.memory_space<vmem>> -> memref<80xi32, #tpu.memory_space<vmem>>
          %dma_wait3A_46 = arith.constant 0 : i32
          %dma_wait3A_47 = arith.constant 0 : i32
          %dma_wait3A_48 = tpu.memref_slice %arg4[%dma_wait3A_46, %dma_wait3A_47] : memref<10000x128xf32, #tpu.memory_space<hbm>> -> memref<10000x128xf32, #tpu.memory_space<hbm>>
          tpu.wait_indirect_dma semaphore(%arg12 : memref<!tpu.dma_semaphore, #tpu.memory_space<semaphore_mem>>) src(%dma_wait3A_48 : memref<10000x128xf32, #tpu.memory_space<hbm>>) dst(%arg11 : memref<80x128xf32, #tpu.memory_space<vmem>>)
          "tpu.region"() ({
            %run_scoped3A = tpu.sem_alloc : memref<!tpu.dma_semaphore, #tpu.memory_space<semaphore_mem>>
            %dma_start3A_49 = arith.constant 0 : i32
            %dma_start3A_50 = tpu.memref_slice %arg10[%add3A_38, %dma_start3A_49] : memref<25x80xi32, #tpu.memory_space<vmem>> -> memref<1x80xi32, #tpu.memory_space<vmem>>
            %dma_start3A_51 = tpu.memref_squeeze %dma_start3A_50 : memref<1x80xi32, #tpu.memory_space<vmem>> -> memref<80xi32, #tpu.memory_space<vmem>>
            %dma_start3A_52 = arith.constant 0 : i32
            %dma_start3A_53 = arith.constant 0 : i32
            %dma_start3A_54 = tpu.memref_slice %arg7[%dma_start3A_52, %dma_start3A_53] : memref<10240x128xf32, #tpu.memory_space<vmem_shared>> -> memref<10240x128xf32, #tpu.memory_space<vmem_shared>>
            tpu.enqueue_indirect_dma source(%arg11 : memref<80x128xf32, #tpu.memory_space<vmem>>) target(%dma_start3A_54 : memref<10240x128xf32, #tpu.memory_space<vmem_shared>>) offsets(%dma_start3A_51 : memref<80xi32, #tpu.memory_space<vmem>>) semaphore(%run_scoped3A : memref<!tpu.dma_semaphore, #tpu.memory_space<semaphore_mem>>) {add = true}
            %dma_wait3A_55 = arith.constant 0 : i32
            %dma_wait3A_56 = tpu.memref_slice %arg10[%add3A_38, %dma_wait3A_55] : memref<25x80xi32, #tpu.memory_space<vmem>> -> memref<1x80xi32, #tpu.memory_space<vmem>>
            %dma_wait3A_57 = tpu.memref_squeeze %dma_wait3A_56 : memref<1x80xi32, #tpu.memory_space<vmem>> -> memref<80xi32, #tpu.memory_space<vmem>>
            %dma_wait3A_58 = arith.constant 0 : i32
            %dma_wait3A_59 = arith.constant 0 : i32
            %dma_wait3A_60 = tpu.memref_slice %arg7[%dma_wait3A_58, %dma_wait3A_59] : memref<10240x128xf32, #tpu.memory_space<vmem_shared>> -> memref<10240x128xf32, #tpu.memory_space<vmem_shared>>
            tpu.wait_indirect_dma semaphore(%run_scoped3A : memref<!tpu.dma_semaphore, #tpu.memory_space<semaphore_mem>>) src(%arg11 : memref<80x128xf32, #tpu.memory_space<vmem>>) dst(%dma_wait3A_60 : memref<10240x128xf32, #tpu.memory_space<vmem_shared>>)
            tpu.yield
          }) : () -> ()
        }
        %scan3A_33 = arith.constant 25 : i32
      }
      %scan3A_24 = arith.constant 5 : i32
    } else {
    }
    %eq3A_11 = arith.constant 1 : i32
    %eq3A_12 = arith.cmpi eq, %arg0, %eq3A_11 : i32
    %convert_element_type3A_13 = arith.extui %eq3A_12 : i1 to i32
    %cond3A_14 = arith.constant 0 : i32
    %cond3A_15 = arith.cmpi ne, %convert_element_type3A_13, %cond3A_14 : i32
    scf.if %cond3A_15 {
      %scan3A_20 = arith.constant 0 : i32
      %scan3A_21 = arith.constant 5 : i32
      %scan3A_22 = arith.addi %scan3A_20, %scan3A_21 : i32
      %scan3A_23 = arith.constant 1 : i32
      scf.for %scan3A_25 = %scan3A_20 to %scan3A_22 step %scan3A_23  : i32 {
        %mul3A_26 = arith.constant 1 : i32
        %mul3A_27 = arith.muli %scan3A_25, %mul3A_26 : i32
        %add3A = arith.constant 0 : i32
        %add3A_28 = arith.addi %add3A, %mul3A_27 : i32
        "tpu.region"() ({
          %run_scoped3A = tpu.sem_alloc : memref<!tpu.dma_semaphore, #tpu.memory_space<semaphore_mem>>
          %dma_start3A = arith.constant 0 : i32
          %dma_start3A_34 = arith.constant 0 : i32
          %dma_start3A_35 = tpu.memref_slice %arg2[%arg1, %add3A_28, %dma_start3A, %dma_start3A_34] : memref<16x5x25x80xi32, #tpu.memory_space<hbm>> -> memref<1x1x25x80xi32, #tpu.memory_space<hbm>>
          %dma_start3A_36 = tpu.memref_squeeze %dma_start3A_35 : memref<1x1x25x80xi32, #tpu.memory_space<hbm>> -> memref<25x80xi32, #tpu.memory_space<hbm>>
          %dma_start3A_37 = arith.constant 0 : i32
          %dma_start3A_38 = arith.constant 0 : i32
          %dma_start3A_39 = tpu.memref_slice %arg2[%arg1, %add3A_28, %dma_start3A_37, %dma_start3A_38] : memref<16x5x25x80xi32, #tpu.memory_space<hbm>> -> memref<1x1x25x80xi32, #tpu.memory_space<hbm>>
          %dma_start3A_40 = tpu.memref_squeeze %dma_start3A_39 : memref<1x1x25x80xi32, #tpu.memory_space<hbm>> -> memref<25x80xi32, #tpu.memory_space<hbm>>
          tpu.enqueue_dma source(%dma_start3A_40 : memref<25x80xi32, #tpu.memory_space<hbm>>) target(%arg9 : memref<25x80xi32, #tpu.memory_space<vmem>>) target_semaphore(%run_scoped3A : memref<!tpu.dma_semaphore, #tpu.memory_space<semaphore_mem>>)
          %dma_wait3A = arith.constant 0 : i32
          %dma_wait3A_41 = arith.constant 0 : i32
          %dma_wait3A_42 = tpu.memref_slice %arg2[%arg1, %add3A_28, %dma_wait3A, %dma_wait3A_41] : memref<16x5x25x80xi32, #tpu.memory_space<hbm>> -> memref<1x1x25x80xi32, #tpu.memory_space<hbm>>
          %dma_wait3A_43 = tpu.memref_squeeze %dma_wait3A_42 : memref<1x1x25x80xi32, #tpu.memory_space<hbm>> -> memref<25x80xi32, #tpu.memory_space<hbm>>
          %dma_wait3A_44 = arith.constant 0 : i32
          %dma_wait3A_45 = arith.constant 0 : i32
          %dma_wait3A_46 = tpu.memref_slice %arg2[%arg1, %add3A_28, %dma_wait3A_44, %dma_wait3A_45] : memref<16x5x25x80xi32, #tpu.memory_space<hbm>> -> memref<1x1x25x80xi32, #tpu.memory_space<hbm>>
          %dma_wait3A_47 = tpu.memref_squeeze %dma_wait3A_46 : memref<1x1x25x80xi32, #tpu.memory_space<hbm>> -> memref<25x80xi32, #tpu.memory_space<hbm>>
          tpu.wait_dma2 semaphore(%run_scoped3A : memref<!tpu.dma_semaphore, #tpu.memory_space<semaphore_mem>>) src(%dma_wait3A_47 : memref<25x80xi32, #tpu.memory_space<hbm>>) dst(%arg9 : memref<25x80xi32, #tpu.memory_space<vmem>>)
          tpu.yield
        }) : () -> ()
        "tpu.region"() ({
          %run_scoped3A = tpu.sem_alloc : memref<!tpu.dma_semaphore, #tpu.memory_space<semaphore_mem>>
          %dma_start3A = arith.constant 0 : i32
          %dma_start3A_34 = arith.constant 0 : i32
          %dma_start3A_35 = tpu.memref_slice %arg3[%arg1, %add3A_28, %dma_start3A, %dma_start3A_34] : memref<16x5x25x80xi32, #tpu.memory_space<hbm>> -> memref<1x1x25x80xi32, #tpu.memory_space<hbm>>
          %dma_start3A_36 = tpu.memref_squeeze %dma_start3A_35 : memref<1x1x25x80xi32, #tpu.memory_space<hbm>> -> memref<25x80xi32, #tpu.memory_space<hbm>>
          %dma_start3A_37 = arith.constant 0 : i32
          %dma_start3A_38 = arith.constant 0 : i32
          %dma_start3A_39 = tpu.memref_slice %arg3[%arg1, %add3A_28, %dma_start3A_37, %dma_start3A_38] : memref<16x5x25x80xi32, #tpu.memory_space<hbm>> -> memref<1x1x25x80xi32, #tpu.memory_space<hbm>>
          %dma_start3A_40 = tpu.memref_squeeze %dma_start3A_39 : memref<1x1x25x80xi32, #tpu.memory_space<hbm>> -> memref<25x80xi32, #tpu.memory_space<hbm>>
          tpu.enqueue_dma source(%dma_start3A_40 : memref<25x80xi32, #tpu.memory_space<hbm>>) target(%arg10 : memref<25x80xi32, #tpu.memory_space<vmem>>) target_semaphore(%run_scoped3A : memref<!tpu.dma_semaphore, #tpu.memory_space<semaphore_mem>>)
          %dma_wait3A = arith.constant 0 : i32
          %dma_wait3A_41 = arith.constant 0 : i32
          %dma_wait3A_42 = tpu.memref_slice %arg3[%arg1, %add3A_28, %dma_wait3A, %dma_wait3A_41] : memref<16x5x25x80xi32, #tpu.memory_space<hbm>> -> memref<1x1x25x80xi32, #tpu.memory_space<hbm>>
          %dma_wait3A_43 = tpu.memref_squeeze %dma_wait3A_42 : memref<1x1x25x80xi32, #tpu.memory_space<hbm>> -> memref<25x80xi32, #tpu.memory_space<hbm>>
          %dma_wait3A_44 = arith.constant 0 : i32
          %dma_wait3A_45 = arith.constant 0 : i32
          %dma_wait3A_46 = tpu.memref_slice %arg3[%arg1, %add3A_28, %dma_wait3A_44, %dma_wait3A_45] : memref<16x5x25x80xi32, #tpu.memory_space<hbm>> -> memref<1x1x25x80xi32, #tpu.memory_space<hbm>>
          %dma_wait3A_47 = tpu.memref_squeeze %dma_wait3A_46 : memref<1x1x25x80xi32, #tpu.memory_space<hbm>> -> memref<25x80xi32, #tpu.memory_space<hbm>>
          tpu.wait_dma2 semaphore(%run_scoped3A : memref<!tpu.dma_semaphore, #tpu.memory_space<semaphore_mem>>) src(%dma_wait3A_47 : memref<25x80xi32, #tpu.memory_space<hbm>>) dst(%arg10 : memref<25x80xi32, #tpu.memory_space<vmem>>)
          tpu.yield
        }) : () -> ()
        %scan3A_29 = arith.constant 0 : i32
        %scan3A_30 = arith.constant 25 : i32
        %scan3A_31 = arith.addi %scan3A_29, %scan3A_30 : i32
        %scan3A_32 = arith.constant 1 : i32
        scf.for %scan3A_34 = %scan3A_29 to %scan3A_31 step %scan3A_32  : i32 {
          %mul3A_35 = arith.constant 1 : i32
          %mul3A_36 = arith.muli %scan3A_34, %mul3A_35 : i32
          %add3A_37 = arith.constant 0 : i32
          %add3A_38 = arith.addi %add3A_37, %mul3A_36 : i32
          %dma_start3A = arith.constant 0 : i32
          %dma_start3A_39 = tpu.memref_slice %arg9[%add3A_38, %dma_start3A] : memref<25x80xi32, #tpu.memory_space<vmem>> -> memref<1x80xi32, #tpu.memory_space<vmem>>
          %dma_start3A_40 = tpu.memref_squeeze %dma_start3A_39 : memref<1x80xi32, #tpu.memory_space<vmem>> -> memref<80xi32, #tpu.memory_space<vmem>>
          %dma_start3A_41 = arith.constant 0 : i32
          %dma_start3A_42 = arith.constant 0 : i32
          %dma_start3A_43 = tpu.memref_slice %arg5[%dma_start3A_41, %dma_start3A_42] : memref<10000x128xf32, #tpu.memory_space<hbm>> -> memref<10000x128xf32, #tpu.memory_space<hbm>>
          tpu.enqueue_indirect_dma source(%dma_start3A_43 : memref<10000x128xf32, #tpu.memory_space<hbm>>) target(%arg11 : memref<80x128xf32, #tpu.memory_space<vmem>>) offsets(%dma_start3A_40 : memref<80xi32, #tpu.memory_space<vmem>>) semaphore(%arg12 : memref<!tpu.dma_semaphore, #tpu.memory_space<semaphore_mem>>)
          %dma_wait3A = arith.constant 0 : i32
          %dma_wait3A_44 = tpu.memref_slice %arg9[%add3A_38, %dma_wait3A] : memref<25x80xi32, #tpu.memory_space<vmem>> -> memref<1x80xi32, #tpu.memory_space<vmem>>
          %dma_wait3A_45 = tpu.memref_squeeze %dma_wait3A_44 : memref<1x80xi32, #tpu.memory_space<vmem>> -> memref<80xi32, #tpu.memory_space<vmem>>
          %dma_wait3A_46 = arith.constant 0 : i32
          %dma_wait3A_47 = arith.constant 0 : i32
          %dma_wait3A_48 = tpu.memref_slice %arg5[%dma_wait3A_46, %dma_wait3A_47] : memref<10000x128xf32, #tpu.memory_space<hbm>> -> memref<10000x128xf32, #tpu.memory_space<hbm>>
          tpu.wait_indirect_dma semaphore(%arg12 : memref<!tpu.dma_semaphore, #tpu.memory_space<semaphore_mem>>) src(%dma_wait3A_48 : memref<10000x128xf32, #tpu.memory_space<hbm>>) dst(%arg11 : memref<80x128xf32, #tpu.memory_space<vmem>>)
          "tpu.region"() ({
            %run_scoped3A = tpu.sem_alloc : memref<!tpu.dma_semaphore, #tpu.memory_space<semaphore_mem>>
            %dma_start3A_49 = arith.constant 0 : i32
            %dma_start3A_50 = tpu.memref_slice %arg10[%add3A_38, %dma_start3A_49] : memref<25x80xi32, #tpu.memory_space<vmem>> -> memref<1x80xi32, #tpu.memory_space<vmem>>
            %dma_start3A_51 = tpu.memref_squeeze %dma_start3A_50 : memref<1x80xi32, #tpu.memory_space<vmem>> -> memref<80xi32, #tpu.memory_space<vmem>>
            %dma_start3A_52 = arith.constant 0 : i32
            %dma_start3A_53 = arith.constant 0 : i32
            %dma_start3A_54 = tpu.memref_slice %arg7[%dma_start3A_52, %dma_start3A_53] : memref<10240x128xf32, #tpu.memory_space<vmem_shared>> -> memref<10240x128xf32, #tpu.memory_space<vmem_shared>>
            tpu.enqueue_indirect_dma source(%arg11 : memref<80x128xf32, #tpu.memory_space<vmem>>) target(%dma_start3A_54 : memref<10240x128xf32, #tpu.memory_space<vmem_shared>>) offsets(%dma_start3A_51 : memref<80xi32, #tpu.memory_space<vmem>>) semaphore(%run_scoped3A : memref<!tpu.dma_semaphore, #tpu.memory_space<semaphore_mem>>) {add = true}
            %dma_wait3A_55 = arith.constant 0 : i32
            %dma_wait3A_56 = tpu.memref_slice %arg10[%add3A_38, %dma_wait3A_55] : memref<25x80xi32, #tpu.memory_space<vmem>> -> memref<1x80xi32, #tpu.memory_space<vmem>>
            %dma_wait3A_57 = tpu.memref_squeeze %dma_wait3A_56 : memref<1x80xi32, #tpu.memory_space<vmem>> -> memref<80xi32, #tpu.memory_space<vmem>>
            %dma_wait3A_58 = arith.constant 0 : i32
            %dma_wait3A_59 = arith.constant 0 : i32
            %dma_wait3A_60 = tpu.memref_slice %arg7[%dma_wait3A_58, %dma_wait3A_59] : memref<10240x128xf32, #tpu.memory_space<vmem_shared>> -> memref<10240x128xf32, #tpu.memory_space<vmem_shared>>
            tpu.wait_indirect_dma semaphore(%run_scoped3A : memref<!tpu.dma_semaphore, #tpu.memory_space<semaphore_mem>>) src(%arg11 : memref<80x128xf32, #tpu.memory_space<vmem>>) dst(%dma_wait3A_60 : memref<10240x128xf32, #tpu.memory_space<vmem_shared>>)
            tpu.yield
          }) : () -> ()
        }
        %scan3A_33 = arith.constant 25 : i32
      }
      %scan3A_24 = arith.constant 5 : i32
    } else {
    }
    %barrier3A_16 = arith.constant 0 : index
    tpu.barrier barrier_id(%barrier3A_16)
    %mul3A = arith.constant 640 : i32
    %mul3A_17 = arith.muli %arg1, %mul3A : i32
    %mul3A_18 = arith.constant 640 : i32
    %mul3A_19 = arith.muli %arg1, %mul3A_18 : i32
    "tpu.region"() ({
      %run_scoped3A = tpu.sem_alloc : memref<!tpu.dma_semaphore, #tpu.memory_space<semaphore_mem>>
      %dma_start3A = arith.constant 0 : i32
      %dma_start3A_20 = tpu.memref_slice %arg6[%arg0, %mul3A_19, %dma_start3A] : memref<2x10240x128xf32, #tpu.memory_space<hbm>> -> memref<1x640x128xf32, #tpu.memory_space<hbm>>
      %dma_start3A_21 = tpu.memref_squeeze %dma_start3A_20 : memref<1x640x128xf32, #tpu.memory_space<hbm>> -> memref<640x128xf32, #tpu.memory_space<hbm>>
      %dma_start3A_22 = arith.constant 0 : i32
      %dma_start3A_23 = tpu.memref_slice %arg7[%mul3A_17, %dma_start3A_22] : memref<10240x128xf32, #tpu.memory_space<vmem_shared>> -> memref<640x128xf32, #tpu.memory_space<vmem_shared>>
      tpu.enqueue_dma source(%dma_start3A_23 : memref<640x128xf32, #tpu.memory_space<vmem_shared>>) target(%dma_start3A_21 : memref<640x128xf32, #tpu.memory_space<hbm>>) target_semaphore(%run_scoped3A : memref<!tpu.dma_semaphore, #tpu.memory_space<semaphore_mem>>)
      %dma_wait3A = arith.constant 0 : i32
      %dma_wait3A_24 = tpu.memref_slice %arg6[%arg0, %mul3A_19, %dma_wait3A] : memref<2x10240x128xf32, #tpu.memory_space<hbm>> -> memref<1x640x128xf32, #tpu.memory_space<hbm>>
      %dma_wait3A_25 = tpu.memref_squeeze %dma_wait3A_24 : memref<1x640x128xf32, #tpu.memory_space<hbm>> -> memref<640x128xf32, #tpu.memory_space<hbm>>
      %dma_wait3A_26 = arith.constant 0 : i32
      %dma_wait3A_27 = tpu.memref_slice %arg7[%mul3A_17, %dma_wait3A_26] : memref<10240x128xf32, #tpu.memory_space<vmem_shared>> -> memref<640x128xf32, #tpu.memory_space<vmem_shared>>
      tpu.wait_dma2 semaphore(%run_scoped3A : memref<!tpu.dma_semaphore, #tpu.memory_space<semaphore_mem>>) src(%dma_wait3A_27 : memref<640x128xf32, #tpu.memory_space<vmem_shared>>) dst(%dma_wait3A_25 : memref<640x128xf32, #tpu.memory_space<hbm>>)
      tpu.yield
    }) : () -> ()
    return
  }
}

#map = affine_map<(d0, d1) -> (0, 0, 0)>
#map1 = affine_map<(d0, d1) -> (0, 0)>
module attributes {stable_mosaic.version = 14 : i64} {
  func.func @_deg_body(%arg0: i32, %arg1: i32, %arg2: memref<32x50x100xi32, #tpu.memory_space<hbm>>, %arg3: memref<2x10240xf32, #tpu.memory_space<hbm>>, %arg4: memref<10240xf32, #tpu.memory_space<vmem_shared>>, %arg5: memref<50x100xi32, #tpu.memory_space<vmem>>, %arg6: memref<112xf32, #tpu.memory_space<vmem>>, %arg7: memref<640xf32, #tpu.memory_space<vmem>>) attributes {dimension_semantics = [#tpu.dimension_semantics<core_parallel>, #tpu.dimension_semantics<subcore_parallel>], iteration_bounds = array<i64: 2, 16>, scalar_prefetch = 0 : i64, scratch_operands = 4 : i64, tpu.core_type = #tpu.core_type<sc_vector_subcore>, window_params = [{transform_indices = #map}, {transform_indices = #map1}]} {
    %mul3A = arith.constant 2 : i32
    %mul3A_0 = arith.muli %arg1, %mul3A : i32
    %add3A = arith.addi %mul3A_0, %arg0 : i32
    "tpu.region"() ({
      %run_scoped3A = tpu.sem_alloc : memref<!tpu.dma_semaphore, #tpu.memory_space<semaphore_mem>>
      %dma_start3A = arith.constant 0 : i32
      %dma_start3A_22 = arith.constant 0 : i32
      %dma_start3A_23 = tpu.memref_slice %arg2[%add3A, %dma_start3A, %dma_start3A_22] : memref<32x50x100xi32, #tpu.memory_space<hbm>> -> memref<1x50x100xi32, #tpu.memory_space<hbm>>
      %dma_start3A_24 = tpu.memref_squeeze %dma_start3A_23 : memref<1x50x100xi32, #tpu.memory_space<hbm>> -> memref<50x100xi32, #tpu.memory_space<hbm>>
      %dma_start3A_25 = arith.constant 0 : i32
      %dma_start3A_26 = arith.constant 0 : i32
      %dma_start3A_27 = tpu.memref_slice %arg2[%add3A, %dma_start3A_25, %dma_start3A_26] : memref<32x50x100xi32, #tpu.memory_space<hbm>> -> memref<1x50x100xi32, #tpu.memory_space<hbm>>
      %dma_start3A_28 = tpu.memref_squeeze %dma_start3A_27 : memref<1x50x100xi32, #tpu.memory_space<hbm>> -> memref<50x100xi32, #tpu.memory_space<hbm>>
      tpu.enqueue_dma source(%dma_start3A_28 : memref<50x100xi32, #tpu.memory_space<hbm>>) target(%arg5 : memref<50x100xi32, #tpu.memory_space<vmem>>) target_semaphore(%run_scoped3A : memref<!tpu.dma_semaphore, #tpu.memory_space<semaphore_mem>>)
      %dma_wait3A = arith.constant 0 : i32
      %dma_wait3A_29 = arith.constant 0 : i32
      %dma_wait3A_30 = tpu.memref_slice %arg2[%add3A, %dma_wait3A, %dma_wait3A_29] : memref<32x50x100xi32, #tpu.memory_space<hbm>> -> memref<1x50x100xi32, #tpu.memory_space<hbm>>
      %dma_wait3A_31 = tpu.memref_squeeze %dma_wait3A_30 : memref<1x50x100xi32, #tpu.memory_space<hbm>> -> memref<50x100xi32, #tpu.memory_space<hbm>>
      %dma_wait3A_32 = arith.constant 0 : i32
      %dma_wait3A_33 = arith.constant 0 : i32
      %dma_wait3A_34 = tpu.memref_slice %arg2[%add3A, %dma_wait3A_32, %dma_wait3A_33] : memref<32x50x100xi32, #tpu.memory_space<hbm>> -> memref<1x50x100xi32, #tpu.memory_space<hbm>>
      %dma_wait3A_35 = tpu.memref_squeeze %dma_wait3A_34 : memref<1x50x100xi32, #tpu.memory_space<hbm>> -> memref<50x100xi32, #tpu.memory_space<hbm>>
      tpu.wait_dma2 semaphore(%run_scoped3A : memref<!tpu.dma_semaphore, #tpu.memory_space<semaphore_mem>>) src(%dma_wait3A_35 : memref<50x100xi32, #tpu.memory_space<hbm>>) dst(%arg5 : memref<50x100xi32, #tpu.memory_space<vmem>>)
      tpu.yield
    }) : () -> ()
    %scan3A = arith.constant 0 : i32
    %scan3A_1 = arith.constant 40 : i32
    %scan3A_2 = arith.addi %scan3A, %scan3A_1 : i32
    %scan3A_3 = arith.constant 1 : i32
    scf.for %scan3A_22 = %scan3A to %scan3A_2 step %scan3A_3  : i32 {
      %mul3A_23 = arith.constant 1 : i32
      %mul3A_24 = arith.muli %scan3A_22, %mul3A_23 : i32
      %add3A_25 = arith.constant 0 : i32
      %add3A_26 = arith.addi %add3A_25, %mul3A_24 : i32
      %broadcast_in_dim3A = arith.constant 0.000000e+00 : f32
      %broadcast_in_dim3A_27 = vector.broadcast %broadcast_in_dim3A : f32 to vector<16xf32>
      %mul3A_28 = arith.constant 16 : i32
      %mul3A_29 = arith.muli %add3A_26, %mul3A_28 : i32
      %swap3A = arith.index_cast %mul3A_29 : i32 to index
      %swap3A_30 = tpu.vector_load %arg7[%swap3A] {strides = array<i32>} : memref<640xf32, #tpu.memory_space<vmem>>, vector<16xf32>,
      %swap3A_31 = vector.shape_cast %swap3A_30 : vector<16xf32> to vector<16xf32>
      %swap3A_32 = vector.shape_cast %broadcast_in_dim3A_27 : vector<16xf32> to vector<16xf32>
      tpu.vector_store %arg7[%swap3A], %swap3A_32 {strides = array<i32>} : memref<640xf32, #tpu.memory_space<vmem>>, vector<16xf32>,
    }
    %scan3A_4 = arith.constant 40 : i32
    %scan3A_5 = arith.constant 0 : i32
    %scan3A_6 = arith.constant 7 : i32
    %scan3A_7 = arith.addi %scan3A_5, %scan3A_6 : i32
    %scan3A_8 = arith.constant 1 : i32
    scf.for %scan3A_22 = %scan3A_5 to %scan3A_7 step %scan3A_8  : i32 {
      %mul3A_23 = arith.constant 1 : i32
      %mul3A_24 = arith.muli %scan3A_22, %mul3A_23 : i32
      %add3A_25 = arith.constant 0 : i32
      %add3A_26 = arith.addi %add3A_25, %mul3A_24 : i32
      %broadcast_in_dim3A = arith.constant 1.000000e+00 : f32
      %broadcast_in_dim3A_27 = vector.broadcast %broadcast_in_dim3A : f32 to vector<16xf32>
      %mul3A_28 = arith.constant 16 : i32
      %mul3A_29 = arith.muli %add3A_26, %mul3A_28 : i32
      %swap3A = arith.index_cast %mul3A_29 : i32 to index
      %swap3A_30 = tpu.vector_load %arg6[%swap3A] {strides = array<i32>} : memref<112xf32, #tpu.memory_space<vmem>>, vector<16xf32>,
      %swap3A_31 = vector.shape_cast %swap3A_30 : vector<16xf32> to vector<16xf32>
      %swap3A_32 = vector.shape_cast %broadcast_in_dim3A_27 : vector<16xf32> to vector<16xf32>
      tpu.vector_store %arg6[%swap3A], %swap3A_32 {strides = array<i32>} : memref<112xf32, #tpu.memory_space<vmem>>, vector<16xf32>,
    }
    %scan3A_9 = arith.constant 7 : i32
    %mul3A_10 = arith.constant 640 : i32
    %mul3A_11 = arith.muli %arg1, %mul3A_10 : i32
    "tpu.region"() ({
      %run_scoped3A = tpu.sem_alloc : memref<!tpu.dma_semaphore, #tpu.memory_space<semaphore_mem>>
      %dma_start3A = tpu.memref_slice %arg4[%mul3A_11] : memref<10240xf32, #tpu.memory_space<vmem_shared>> -> memref<640xf32, #tpu.memory_space<vmem_shared>>
      %dma_start3A_22 = tpu.memref_slice %arg4[%mul3A_11] : memref<10240xf32, #tpu.memory_space<vmem_shared>> -> memref<640xf32, #tpu.memory_space<vmem_shared>>
      tpu.enqueue_dma source(%arg7 : memref<640xf32, #tpu.memory_space<vmem>>) target(%dma_start3A_22 : memref<640xf32, #tpu.memory_space<vmem_shared>>) target_semaphore(%run_scoped3A : memref<!tpu.dma_semaphore, #tpu.memory_space<semaphore_mem>>)
      %dma_wait3A = tpu.memref_slice %arg4[%mul3A_11] : memref<10240xf32, #tpu.memory_space<vmem_shared>> -> memref<640xf32, #tpu.memory_space<vmem_shared>>
      %dma_wait3A_23 = tpu.memref_slice %arg4[%mul3A_11] : memref<10240xf32, #tpu.memory_space<vmem_shared>> -> memref<640xf32, #tpu.memory_space<vmem_shared>>
      tpu.wait_dma2 semaphore(%run_scoped3A : memref<!tpu.dma_semaphore, #tpu.memory_space<semaphore_mem>>) src(%arg7 : memref<640xf32, #tpu.memory_space<vmem>>) dst(%dma_wait3A_23 : memref<640xf32, #tpu.memory_space<vmem_shared>>)
      tpu.yield
    }) : () -> ()
    %barrier3A = arith.constant 0 : index
    tpu.barrier barrier_id(%barrier3A)
    %scan3A_12 = arith.constant 0 : i32
    %scan3A_13 = arith.constant 50 : i32
    %scan3A_14 = arith.addi %scan3A_12, %scan3A_13 : i32
    %scan3A_15 = arith.constant 1 : i32
    scf.for %scan3A_22 = %scan3A_12 to %scan3A_14 step %scan3A_15  : i32 {
      %mul3A_23 = arith.constant 1 : i32
      %mul3A_24 = arith.muli %scan3A_22, %mul3A_23 : i32
      %add3A_25 = arith.constant 0 : i32
      %add3A_26 = arith.addi %add3A_25, %mul3A_24 : i32
      "tpu.region"() ({
        %run_scoped3A = tpu.sem_alloc : memref<!tpu.dma_semaphore, #tpu.memory_space<semaphore_mem>>
        %dma_start3A = arith.constant 0 : i32
        %dma_start3A_27 = tpu.memref_slice %arg6[%dma_start3A] : memref<112xf32, #tpu.memory_space<vmem>> -> memref<100xf32, #tpu.memory_space<vmem>>
        %dma_start3A_28 = arith.constant 0 : i32
        %dma_start3A_29 = tpu.memref_slice %arg5[%add3A_26, %dma_start3A_28] : memref<50x100xi32, #tpu.memory_space<vmem>> -> memref<1x100xi32, #tpu.memory_space<vmem>>
        %dma_start3A_30 = tpu.memref_squeeze %dma_start3A_29 : memref<1x100xi32, #tpu.memory_space<vmem>> -> memref<100xi32, #tpu.memory_space<vmem>>
        %dma_start3A_31 = arith.constant 0 : i32
        %dma_start3A_32 = tpu.memref_slice %arg4[%dma_start3A_31] : memref<10240xf32, #tpu.memory_space<vmem_shared>> -> memref<10240xf32, #tpu.memory_space<vmem_shared>>
        tpu.enqueue_indirect_dma source(%dma_start3A_27 : memref<100xf32, #tpu.memory_space<vmem>>) target(%dma_start3A_32 : memref<10240xf32, #tpu.memory_space<vmem_shared>>) offsets(%dma_start3A_30 : memref<100xi32, #tpu.memory_space<vmem>>) semaphore(%run_scoped3A : memref<!tpu.dma_semaphore, #tpu.memory_space<semaphore_mem>>) {add = true}
        %dma_wait3A = arith.constant 0 : i32
        %dma_wait3A_33 = tpu.memref_slice %arg6[%dma_wait3A] : memref<112xf32, #tpu.memory_space<vmem>> -> memref<100xf32, #tpu.memory_space<vmem>>
        %dma_wait3A_34 = arith.constant 0 : i32
        %dma_wait3A_35 = tpu.memref_slice %arg5[%add3A_26, %dma_wait3A_34] : memref<50x100xi32, #tpu.memory_space<vmem>> -> memref<1x100xi32, #tpu.memory_space<vmem>>
        %dma_wait3A_36 = tpu.memref_squeeze %dma_wait3A_35 : memref<1x100xi32, #tpu.memory_space<vmem>> -> memref<100xi32, #tpu.memory_space<vmem>>
        %dma_wait3A_37 = arith.constant 0 : i32
        %dma_wait3A_38 = tpu.memref_slice %arg4[%dma_wait3A_37] : memref<10240xf32, #tpu.memory_space<vmem_shared>> -> memref<10240xf32, #tpu.memory_space<vmem_shared>>
        tpu.wait_indirect_dma semaphore(%run_scoped3A : memref<!tpu.dma_semaphore, #tpu.memory_space<semaphore_mem>>) src(%dma_wait3A_33 : memref<100xf32, #tpu.memory_space<vmem>>) dst(%dma_wait3A_38 : memref<10240xf32, #tpu.memory_space<vmem_shared>>)
        tpu.yield
      }) : () -> ()
    }
    %scan3A_16 = arith.constant 50 : i32
    %barrier3A_17 = arith.constant 0 : index
    tpu.barrier barrier_id(%barrier3A_17)
    %mul3A_18 = arith.constant 640 : i32
    %mul3A_19 = arith.muli %arg1, %mul3A_18 : i32
    %mul3A_20 = arith.constant 640 : i32
    %mul3A_21 = arith.muli %arg1, %mul3A_20 : i32
    "tpu.region"() ({
      %run_scoped3A = tpu.sem_alloc : memref<!tpu.dma_semaphore, #tpu.memory_space<semaphore_mem>>
      %dma_start3A = tpu.memref_slice %arg3[%arg0, %mul3A_21] : memref<2x10240xf32, #tpu.memory_space<hbm>> -> memref<1x640xf32, #tpu.memory_space<hbm>>
      %dma_start3A_22 = tpu.memref_squeeze %dma_start3A : memref<1x640xf32, #tpu.memory_space<hbm>> -> memref<640xf32, #tpu.memory_space<hbm>>
      %dma_start3A_23 = tpu.memref_slice %arg4[%mul3A_19] : memref<10240xf32, #tpu.memory_space<vmem_shared>> -> memref<640xf32, #tpu.memory_space<vmem_shared>>
      tpu.enqueue_dma source(%dma_start3A_23 : memref<640xf32, #tpu.memory_space<vmem_shared>>) target(%dma_start3A_22 : memref<640xf32, #tpu.memory_space<hbm>>) target_semaphore(%run_scoped3A : memref<!tpu.dma_semaphore, #tpu.memory_space<semaphore_mem>>)
      %dma_wait3A = tpu.memref_slice %arg3[%arg0, %mul3A_21] : memref<2x10240xf32, #tpu.memory_space<hbm>> -> memref<1x640xf32, #tpu.memory_space<hbm>>
      %dma_wait3A_24 = tpu.memref_squeeze %dma_wait3A : memref<1x640xf32, #tpu.memory_space<hbm>> -> memref<640xf32, #tpu.memory_space<hbm>>
      %dma_wait3A_25 = tpu.memref_slice %arg4[%mul3A_19] : memref<10240xf32, #tpu.memory_space<vmem_shared>> -> memref<640xf32, #tpu.memory_space<vmem_shared>>
      tpu.wait_dma2 semaphore(%run_scoped3A : memref<!tpu.dma_semaphore, #tpu.memory_space<semaphore_mem>>) src(%dma_wait3A_25 : memref<640xf32, #tpu.memory_space<vmem_shared>>) dst(%dma_wait3A_24 : memref<640xf32, #tpu.memory_space<hbm>>)
      tpu.yield
    }) : () -> ()
    return
  }
}

module attributes {stable_mosaic.version = 14 : i64} {
  func.func @_prescale_body(%arg0: i32, %arg1: memref<1x2x1000xf32, #tpu.memory_space<vmem>>, %arg2: memref<1000x256xf32, #tpu.memory_space<vmem>>, %arg3: memref<1000x128xf32, #tpu.memory_space<vmem>>, %arg4: memref<1000x128xf32, #tpu.memory_space<vmem>>) attributes {dimension_semantics = [#tpu.dimension_semantics<arbitrary>], iteration_bounds = array<i64: 10>, scalar_prefetch = 0 : i64, scratch_operands = 0 : i64, tpu.core_type = #tpu.core_type<tc>, window_params = [{transform_indices = @transform_0, window_bounds = array<i64: 1, 2, 1000>}, {transform_indices = @transform_1, window_bounds = array<i64: 1000, 256>}, {transform_indices = @transform_2, window_bounds = array<i64: 1000, 128>}, {transform_indices = @transform_3, window_bounds = array<i64: 1000, 128>}]} {
    %get3A = arith.constant 0 : index
    %get3A_0 = arith.constant 0 : index
    %get3A_1 = arith.constant 0 : index
    %get3A_2 = vector.load %arg1[%get3A, %get3A_0, %get3A_1] : memref<1x2x1000xf32, #tpu.memory_space<vmem>>, vector<1x2x1000xf32>
    %get3A_3 = vector.shape_cast %get3A_2 : vector<1x2x1000xf32> to vector<2x1000xf32>
    %reduce_sum3A = arith.constant dense<0.000000e+00> : vector<1000xf32>
    %reduce_sum3A_4 = vector.multi_reduction <add>, %get3A_3, %reduce_sum3A [0] : vector<2x1000xf32> to vector<1000xf32>
    %add3A = arith.constant 1.000000e+00 : f32
    %add3A_5 = vector.broadcast %add3A : f32 to vector<1000xf32>
    %add3A_6 = arith.addf %reduce_sum3A_4, %add3A_5 : vector<1000xf32>
    %rsqrt3A = math.rsqrt %add3A_6 : vector<1000xf32>
    %get3A_7 = arith.constant 0 : index
    %get3A_8 = arith.constant 0 : index
    %get3A_9 = vector.load %arg2[%get3A_7, %get3A_8] : memref<1000x256xf32, #tpu.memory_space<vmem>>, vector<1000x256xf32>
    %broadcast_in_dim3A = vector.shape_cast %rsqrt3A : vector<1000xf32> to vector<1000x1xf32>
    %mul3A = vector.broadcast %broadcast_in_dim3A : vector<1000x1xf32> to vector<1000x256xf32>
    %mul3A_10 = arith.mulf %get3A_9, %mul3A : vector<1000x256xf32>
    %slice3A = vector.extract_strided_slice %mul3A_10 {offsets = [0, 0], sizes = [1000, 128], strides = [1, 1]} : vector<1000x256xf32> to vector<1000x128xf32>
    %swap3A = arith.constant 0 : index
    %swap3A_11 = arith.constant 0 : index
    %swap3A_12 = vector.load %arg3[%swap3A, %swap3A_11] : memref<1000x128xf32, #tpu.memory_space<vmem>>, vector<1000x128xf32>
    tpu.vector_store %arg3[%swap3A, %swap3A_11], %slice3A {strides = array<i32>} : memref<1000x128xf32, #tpu.memory_space<vmem>>, vector<1000x128xf32>,
    %slice3A_13 = vector.extract_strided_slice %mul3A_10 {offsets = [0, 128], sizes = [1000, 128], strides = [1, 1]} : vector<1000x256xf32> to vector<1000x128xf32>
    %swap3A_14 = arith.constant 0 : index
    %swap3A_15 = arith.constant 0 : index
    %swap3A_16 = vector.load %arg4[%swap3A_14, %swap3A_15] : memref<1000x128xf32, #tpu.memory_space<vmem>>, vector<1000x128xf32>
    tpu.vector_store %arg4[%swap3A_14, %swap3A_15], %slice3A_13 {strides = array<i32>} : memref<1000x128xf32, #tpu.memory_space<vmem>>, vector<1000x128xf32>,
    return
  }
  func.func @transform_0(%arg0: i32) -> (i32, i32, i32) {
    %c0_i32 = arith.constant 0 : i32
    %c0_i32_0 = arith.constant 0 : i32
    %c0_i32_1 = arith.constant 0 : i32
    return %arg0, %c0_i32, %c0_i32_0 : i32, i32, i32
  }
  func.func @transform_1(%arg0: i32) -> (i32, i32) {
    %c0_i32 = arith.constant 0 : i32
    %c0_i32_0 = arith.constant 0 : i32
    return %arg0, %c0_i32 : i32, i32
  }
  func.func @transform_2(%arg0: i32) -> (i32, i32) {
    %c0_i32 = arith.constant 0 : i32
    %c0_i32_0 = arith.constant 0 : i32
    return %arg0, %c0_i32 : i32, i32
  }
  func.func @transform_3(%arg0: i32) -> (i32, i32) {
    %c0_i32 = arith.constant 0 : i32
    %c0_i32_0 = arith.constant 0 : i32
    return %arg0, %c0_i32 : i32, i32
  }
}

module attributes {stable_mosaic.version = 14 : i64} {
  func.func @_tail_body(%arg0: i32, %arg1: memref<1x2x1000xf32, #tpu.memory_space<vmem>>, %arg2: memref<1000x128xf32, #tpu.memory_space<vmem>>, %arg3: memref<1000x128xf32, #tpu.memory_space<vmem>>, %arg4: memref<1000x128xf32, #tpu.memory_space<vmem>>, %arg5: memref<1000x128xf32, #tpu.memory_space<vmem>>, %arg6: memref<1x1x1000xi32, #tpu.memory_space<vmem>>, %arg7: memref<1x10000xi32, #tpu.memory_space<vmem>>, %arg8: memref<256x512xf32, #tpu.memory_space<vmem>>, %arg9: memref<1x512xf32, #tpu.memory_space<vmem>>, %arg10: memref<512x512xf32, #tpu.memory_space<vmem>>, %arg11: memref<1x512xf32, #tpu.memory_space<vmem>>, %arg12: memref<1000x512xf32, #tpu.memory_space<vmem>>, %arg13: memref<64x512xf32, #tpu.memory_space<vmem>>, %arg14: memref<64x512xf32, #tpu.memory_space<vmem>>) attributes {dimension_semantics = [#tpu.dimension_semantics<arbitrary>], iteration_bounds = array<i64: 10>, scalar_prefetch = 0 : i64, scratch_operands = 1 : i64, tpu.core_type = #tpu.core_type<tc>, window_params = [{transform_indices = @transform_0, window_bounds = array<i64: 1, 2, 1000>}, {transform_indices = @transform_1, window_bounds = array<i64: 1000, 128>}, {transform_indices = @transform_2, window_bounds = array<i64: 1000, 128>}, {transform_indices = @transform_3, window_bounds = array<i64: 1000, 128>}, {transform_indices = @transform_4, window_bounds = array<i64: 1000, 128>}, {transform_indices = @transform_5, window_bounds = array<i64: 1, 1, 1000>}, {pipeline_mode = #tpu.pipeline_mode<synchronous>, transform_indices = @transform_6, window_bounds = array<i64: 1, 10000>}, {pipeline_mode = #tpu.pipeline_mode<synchronous>, transform_indices = @transform_7, window_bounds = array<i64: 256, 512>}, {pipeline_mode = #tpu.pipeline_mode<synchronous>, transform_indices = @transform_8, window_bounds = array<i64: 1, 512>}, {pipeline_mode = #tpu.pipeline_mode<synchronous>, transform_indices = @transform_9, window_bounds = array<i64: 512, 512>}, {pipeline_mode = #tpu.pipeline_mode<synchronous>, transform_indices = @transform_10, window_bounds = array<i64: 1, 512>}, {transform_indices = @transform_11, window_bounds = array<i64: 1000, 512>}, {pipeline_mode = #tpu.pipeline_mode<synchronous>, transform_indices = @transform_12, window_bounds = array<i64: 64, 512>}]} {
    %get3A = arith.constant 0 : index
    %get3A_0 = arith.constant 0 : index
    %get3A_1 = arith.constant 0 : index
    %get3A_2 = vector.load %arg1[%get3A, %get3A_0, %get3A_1] : memref<1x2x1000xf32, #tpu.memory_space<vmem>>, vector<1x2x1000xf32>
    %get3A_3 = vector.shape_cast %get3A_2 : vector<1x2x1000xf32> to vector<2x1000xf32>
    %reduce_sum3A = arith.constant dense<0.000000e+00> : vector<1000xf32>
    %reduce_sum3A_4 = vector.multi_reduction <add>, %get3A_3, %reduce_sum3A [0] : vector<2x1000xf32> to vector<1000xf32>
    %add3A = arith.constant 1.000000e+00 : f32
    %add3A_5 = vector.broadcast %add3A : f32 to vector<1000xf32>
    %add3A_6 = arith.addf %reduce_sum3A_4, %add3A_5 : vector<1000xf32>
    %rsqrt3A = math.rsqrt %add3A_6 : vector<1000xf32>
    %get3A_7 = arith.constant 0 : index
    %get3A_8 = arith.constant 0 : index
    %get3A_9 = vector.load %arg2[%get3A_7, %get3A_8] : memref<1000x128xf32, #tpu.memory_space<vmem>>, vector<1000x128xf32>
    %get3A_10 = arith.constant 0 : index
    %get3A_11 = arith.constant 0 : index
    %get3A_12 = vector.load %arg4[%get3A_10, %get3A_11] : memref<1000x128xf32, #tpu.memory_space<vmem>>, vector<1000x128xf32>
    %add3A_13 = arith.addf %get3A_9, %get3A_12 : vector<1000x128xf32>
    %broadcast_in_dim3A = vector.shape_cast %rsqrt3A : vector<1000xf32> to vector<1000x1xf32>
    %mul3A = vector.broadcast %broadcast_in_dim3A : vector<1000x1xf32> to vector<1000x128xf32>
    %mul3A_14 = arith.mulf %add3A_13, %mul3A : vector<1000x128xf32>
    %get3A_15 = arith.constant 0 : index
    %get3A_16 = arith.constant 0 : index
    %get3A_17 = vector.load %arg3[%get3A_15, %get3A_16] : memref<1000x128xf32, #tpu.memory_space<vmem>>, vector<1000x128xf32>
    %get3A_18 = arith.constant 0 : index
    %get3A_19 = arith.constant 0 : index
    %get3A_20 = vector.load %arg5[%get3A_18, %get3A_19] : memref<1000x128xf32, #tpu.memory_space<vmem>>, vector<1000x128xf32>
    %add3A_21 = arith.addf %get3A_17, %get3A_20 : vector<1000x128xf32>
    %broadcast_in_dim3A_22 = vector.shape_cast %rsqrt3A : vector<1000xf32> to vector<1000x1xf32>
    %mul3A_23 = vector.broadcast %broadcast_in_dim3A_22 : vector<1000x1xf32> to vector<1000x128xf32>
    %mul3A_24 = arith.mulf %add3A_21, %mul3A_23 : vector<1000x128xf32>
    %concatenate3A = tpu.concatenate %mul3A_14, %mul3A_24 in 1 : vector<1000x128xf32>, vector<1000x128xf32> -> vector<1000x256xf32>
    %get3A_25 = arith.constant 0 : index
    %get3A_26 = arith.constant 0 : index
    %get3A_27 = vector.load %arg8[%get3A_25, %get3A_26] : memref<256x512xf32, #tpu.memory_space<vmem>>, vector<256x512xf32>
    %dot_general3A = arith.constant dense<0.000000e+00> : vector<1000x512xf32>
    %dot_general3A_28 = tpu.matmul %concatenate3A, %get3A_27, %dot_general3A {dimension_numbers = #tpu.dot_dimension_numbers<[1], [0], [0], [1], [0, 0, 1, 1], [], []>, transpose_lhs_hint = false} : vector<1000x256xf32>, vector<256x512xf32>, vector<1000x512xf32> -> vector<1000x512xf32>
    %get3A_29 = arith.constant 0 : index
    %get3A_30 = arith.constant 0 : index
    %get3A_31 = vector.load %arg9[%get3A_29, %get3A_30] : memref<1x512xf32, #tpu.memory_space<vmem>>, vector<1x512xf32>
    %add3A_32 = vector.broadcast %get3A_31 : vector<1x512xf32> to vector<1000x512xf32>
    %add3A_33 = arith.addf %dot_general3A_28, %add3A_32 : vector<1000x512xf32>
    %tanh3A = math.tanh %add3A_33 : vector<1000x512xf32>
    %swap3A = arith.constant 0 : index
    %swap3A_34 = arith.constant 0 : index
    %swap3A_35 = vector.load %arg12[%swap3A, %swap3A_34] : memref<1000x512xf32, #tpu.memory_space<vmem>>, vector<1000x512xf32>
    tpu.vector_store %arg12[%swap3A, %swap3A_34], %tanh3A {strides = array<i32>} : memref<1000x512xf32, #tpu.memory_space<vmem>>, vector<1000x512xf32>,
    %get3A_36 = arith.constant 0 : index
    %get3A_37 = arith.constant 0 : index
    %get3A_38 = arith.constant 0 : index
    %get3A_39 = vector.load %arg6[%get3A_36, %get3A_37, %get3A_38] : memref<1x1x1000xi32, #tpu.memory_space<vmem>>, vector<1x1x1000xi32>
    %get3A_40 = vector.shape_cast %get3A_39 : vector<1x1x1000xi32> to vector<1000xi32>
    %iota3A = tpu.iota {dimensions = array<i32: 0>} : vector<64x1000xi32>
    %broadcast_in_dim3A_41 = vector.shape_cast %get3A_40 : vector<1000xi32> to vector<1x1000xi32>
    %eq3A = vector.broadcast %broadcast_in_dim3A_41 : vector<1x1000xi32> to vector<64x1000xi32>
    %eq3A_42 = arith.cmpi eq, %eq3A, %iota3A : vector<64x1000xi32>
    %convert_element_type3A = arith.extui %eq3A_42 : vector<64x1000xi1> to vector<64x1000xi32>
    %convert_element_type3A_43 = arith.sitofp %convert_element_type3A : vector<64x1000xi32> to vector<64x1000xf32>
    %dot_general3A_44 = arith.constant dense<0.000000e+00> : vector<64x512xf32>
    %dot_general3A_45 = tpu.matmul %convert_element_type3A_43, %tanh3A, %dot_general3A_44 {dimension_numbers = #tpu.dot_dimension_numbers<[1], [0], [0], [1], [0, 0, 1, 1], [], []>, transpose_lhs_hint = false} : vector<64x1000xf32>, vector<1000x512xf32>, vector<64x512xf32> -> vector<64x512xf32>
    %eq3A_46 = arith.constant 0 : i32
    %eq3A_47 = arith.cmpi eq, %arg0, %eq3A_46 : i32
    %convert_element_type3A_48 = arith.extui %eq3A_47 : i1 to i32
    %cond3A = arith.constant 0 : i32
    %cond3A_49 = arith.cmpi ne, %convert_element_type3A_48, %cond3A : i32
    scf.if %cond3A_49 {
      %swap3A_59 = arith.constant 0 : index
      %swap3A_60 = arith.constant 0 : index
      %swap3A_61 = vector.load %arg14[%swap3A_59, %swap3A_60] : memref<64x512xf32, #tpu.memory_space<vmem>>, vector<64x512xf32>
      tpu.vector_store %arg14[%swap3A_59, %swap3A_60], %dot_general3A_45 {strides = array<i32>} : memref<64x512xf32, #tpu.memory_space<vmem>>, vector<64x512xf32>,
    } else {
    }
    %gt3A = arith.constant 0 : i32
    %gt3A_50 = arith.cmpi sgt, %arg0, %gt3A : i32
    %convert_element_type3A_51 = arith.extui %gt3A_50 : i1 to i32
    %cond3A_52 = arith.constant 0 : i32
    %cond3A_53 = arith.cmpi ne, %convert_element_type3A_51, %cond3A_52 : i32
    scf.if %cond3A_53 {
      %get3A_59 = arith.constant 0 : index
      %get3A_60 = arith.constant 0 : index
      %get3A_61 = vector.load %arg14[%get3A_59, %get3A_60] : memref<64x512xf32, #tpu.memory_space<vmem>>, vector<64x512xf32>
      %add3A_62 = arith.addf %get3A_61, %dot_general3A_45 : vector<64x512xf32>
      %swap3A_63 = arith.constant 0 : index
      %swap3A_64 = arith.constant 0 : index
      %swap3A_65 = vector.load %arg14[%swap3A_63, %swap3A_64] : memref<64x512xf32, #tpu.memory_space<vmem>>, vector<64x512xf32>
      tpu.vector_store %arg14[%swap3A_63, %swap3A_64], %add3A_62 {strides = array<i32>} : memref<64x512xf32, #tpu.memory_space<vmem>>, vector<64x512xf32>,
    } else {
    }
    %eq3A_54 = arith.constant 9 : i32
    %eq3A_55 = arith.cmpi eq, %arg0, %eq3A_54 : i32
    %convert_element_type3A_56 = arith.extui %eq3A_55 : i1 to i32
    %cond3A_57 = arith.constant 0 : i32
    %cond3A_58 = arith.cmpi ne, %convert_element_type3A_56, %cond3A_57 : i32
    scf.if %cond3A_58 {
      %get3A_59 = arith.constant 0 : index
      %get3A_60 = arith.constant 0 : index
      %get3A_61 = vector.load %arg7[%get3A_59, %get3A_60] : memref<1x10000xi32, #tpu.memory_space<vmem>>, vector<1x10000xi32>
      %get3A_62 = vector.shape_cast %get3A_61 : vector<1x10000xi32> to vector<10000xi32>
      %iota3A_63 = tpu.iota {dimensions = array<i32: 0>} : vector<64x10000xi32>
      %broadcast_in_dim3A_64 = vector.shape_cast %get3A_62 : vector<10000xi32> to vector<1x10000xi32>
      %eq3A_65 = vector.broadcast %broadcast_in_dim3A_64 : vector<1x10000xi32> to vector<64x10000xi32>
      %eq3A_66 = arith.cmpi eq, %eq3A_65, %iota3A_63 : vector<64x10000xi32>
      %convert_element_type3A_67 = arith.extui %eq3A_66 : vector<64x10000xi1> to vector<64x10000xi32>
      %convert_element_type3A_68 = arith.sitofp %convert_element_type3A_67 : vector<64x10000xi32> to vector<64x10000xf32>
      %reduce_sum3A_69 = arith.constant dense<0.000000e+00> : vector<64xf32>
      %reduce_sum3A_70 = vector.multi_reduction <add>, %convert_element_type3A_68, %reduce_sum3A_69 [1] : vector<64x10000xf32> to vector<64xf32>
      %get3A_71 = arith.constant 0 : index
      %get3A_72 = arith.constant 0 : index
      %get3A_73 = vector.load %arg14[%get3A_71, %get3A_72] : memref<64x512xf32, #tpu.memory_space<vmem>>, vector<64x512xf32>
      %max3A = arith.constant 1.000000e+00 : f32
      %max3A_74 = vector.broadcast %max3A : f32 to vector<64xf32>
      %max3A_75 = arith.maximumf %reduce_sum3A_70, %max3A_74 : vector<64xf32>
      %broadcast_in_dim3A_76 = vector.shape_cast %max3A_75 : vector<64xf32> to vector<64x1xf32>
      %div3A = vector.broadcast %broadcast_in_dim3A_76 : vector<64x1xf32> to vector<64x512xf32>
      %div3A_77 = arith.divf %get3A_73, %div3A : vector<64x512xf32>
      %get3A_78 = arith.constant 0 : index
      %get3A_79 = arith.constant 0 : index
      %get3A_80 = vector.load %arg10[%get3A_78, %get3A_79] : memref<512x512xf32, #tpu.memory_space<vmem>>, vector<512x512xf32>
      %dot_general3A_81 = arith.constant dense<0.000000e+00> : vector<64x512xf32>
      %dot_general3A_82 = tpu.matmul %div3A_77, %get3A_80, %dot_general3A_81 {dimension_numbers = #tpu.dot_dimension_numbers<[1], [0], [0], [1], [0, 0, 1, 1], [], []>, transpose_lhs_hint = false} : vector<64x512xf32>, vector<512x512xf32>, vector<64x512xf32> -> vector<64x512xf32>
      %get3A_83 = arith.constant 0 : index
      %get3A_84 = arith.constant 0 : index
      %get3A_85 = vector.load %arg11[%get3A_83, %get3A_84] : memref<1x512xf32, #tpu.memory_space<vmem>>, vector<1x512xf32>
      %add3A_86 = vector.broadcast %get3A_85 : vector<1x512xf32> to vector<64x512xf32>
      %add3A_87 = arith.addf %dot_general3A_82, %add3A_86 : vector<64x512xf32>
      %tanh3A_88 = math.tanh %add3A_87 : vector<64x512xf32>
      %swap3A_89 = arith.constant 0 : index
      %swap3A_90 = arith.constant 0 : index
      %swap3A_91 = vector.load %arg13[%swap3A_89, %swap3A_90] : memref<64x512xf32, #tpu.memory_space<vmem>>, vector<64x512xf32>
      tpu.vector_store %arg13[%swap3A_89, %swap3A_90], %tanh3A_88 {strides = array<i32>} : memref<64x512xf32, #tpu.memory_space<vmem>>, vector<64x512xf32>,
    } else {
    }
    return
  }
  func.func @transform_0(%arg0: i32) -> (i32, i32, i32) {
    %c0_i32 = arith.constant 0 : i32
    %c0_i32_0 = arith.constant 0 : i32
    %c0_i32_1 = arith.constant 0 : i32
    return %arg0, %c0_i32, %c0_i32_0 : i32, i32, i32
  }
  func.func @transform_1(%arg0: i32) -> (i32, i32) {
    %c0_i32 = arith.constant 0 : i32
    %c0_i32_0 = arith.constant 0 : i32
    return %arg0, %c0_i32 : i32, i32
  }
  func.func @transform_2(%arg0: i32) -> (i32, i32) {
    %c0_i32 = arith.constant 0 : i32
    %c0_i32_0 = arith.constant 0 : i32
    return %arg0, %c0_i32 : i32, i32
  }
  func.func @transform_3(%arg0: i32) -> (i32, i32) {
    %c0_i32 = arith.constant 0 : i32
    %c0_i32_0 = arith.constant 0 : i32
    return %arg0, %c0_i32 : i32, i32
  }
  func.func @transform_4(%arg0: i32) -> (i32, i32) {
    %c0_i32 = arith.constant 0 : i32
    %c0_i32_0 = arith.constant 0 : i32
    return %arg0, %c0_i32 : i32, i32
  }
  func.func @transform_5(%arg0: i32) -> (i32, i32, i32) {
    %c0_i32 = arith.constant 0 : i32
    %c0_i32_0 = arith.constant 0 : i32
    %c0_i32_1 = arith.constant 0 : i32
    return %arg0, %c0_i32, %c0_i32_0 : i32, i32, i32
  }
  func.func @transform_6(%arg0: i32) -> (i32, i32) {
    %c0_i32 = arith.constant 0 : i32
    %c0_i32_0 = arith.constant 0 : i32
    %c0_i32_1 = arith.constant 0 : i32
    return %c0_i32, %c0_i32_0 : i32, i32
  }
  func.func @transform_7(%arg0: i32) -> (i32, i32) {
    %c0_i32 = arith.constant 0 : i32
    %c0_i32_0 = arith.constant 0 : i32
    %c0_i32_1 = arith.constant 0 : i32
    return %c0_i32, %c0_i32_0 : i32, i32
  }
  func.func @transform_8(%arg0: i32) -> (i32, i32) {
    %c0_i32 = arith.constant 0 : i32
    %c0_i32_0 = arith.constant 0 : i32
    %c0_i32_1 = arith.constant 0 : i32
    return %c0_i32, %c0_i32_0 : i32, i32
  }
  func.func @transform_9(%arg0: i32) -> (i32, i32) {
    %c0_i32 = arith.constant 0 : i32
    %c0_i32_0 = arith.constant 0 : i32
    %c0_i32_1 = arith.constant 0 : i32
    return %c0_i32, %c0_i32_0 : i32, i32
  }
  func.func @transform_10(%arg0: i32) -> (i32, i32) {
    %c0_i32 = arith.constant 0 : i32
    %c0_i32_0 = arith.constant 0 : i32
    %c0_i32_1 = arith.constant 0 : i32
    return %c0_i32, %c0_i32_0 : i32, i32
  }
  func.func @transform_11(%arg0: i32) -> (i32, i32) {
    %c0_i32 = arith.constant 0 : i32
    %c0_i32_0 = arith.constant 0 : i32
    return %arg0, %c0_i32 : i32, i32
  }
  func.func @transform_12(%arg0: i32) -> (i32, i32) {
    %c0_i32 = arith.constant 0 : i32
    %c0_i32_0 = arith.constant 0 : i32
    %c0_i32_1 = arith.constant 0 : i32
    return %c0_i32, %c0_i32_0 : i32, i32
  }
}

</mosaic_0001>

<sc_bundles>
// kernel: kernel.6.cloned.1.call-start
scs
__scs_entry_jumppad:
0x0: {  	(pc) =	sbr.rel $0x88, $3  }
0x1: {  	(tag) =	ssettag $0x0;
	lr =	simm.s32 $0x1  }
0x2: {  	[smem:$0x3F9A] =	sst lr;
	_ =	strace $0xD0000000  }
0x3: {  	_ = 	snop  }
0x4: {  	_ = 	snop  }
0x5: {  	_ = 	snop  }
0x6: {  	_ = 	snop  }
0x7: {  	_ = 	snop  }
__scs_overlays_trampoline_lowered:
0x8: {  	[smem:$0x3FA9] =	sst s0  }
0x9: {  	[smem:$0x3FAA] =	sst s1  }
0xa: {  	[smem:$0x3FAB] =	sst s2  }
0xb: {  	[smem:$0x3FAC] =	sst s3  }
0xc: {  	[smem:$0x3FAD] =	sst s4  }
0xd: {  	[smem:$0x3FAE] =	sst s5  }
0xe: {  	[smem:$0x3FAF] =	sst s6  }
0xf: {  	[smem:$0x3FB0] =	sst s7  }
0x10: {  	[smem:$0x3FB1] =	sst s8  }
0x11: {  	[smem:$0x3FB2] =	sst s9;
	s0 =	simm.s32 @!p0 $0x0  }
0x12: {  	s1 =	sld [smem:$0x3F98];
	s0 =	simm.s32 @p0 $0x1  }
0x13: {  	[smem:$0x3FB3] =	sst s0;
	s0 =	simm.s32 @!p1 $0x0  }
0x14: {  	s2 =	sld [smem:$0x3F97];
	s0 =	simm.s32 @p1 $0x1  }
0x15: {  	[smem:$0x3FB4] =	sst s0;
	s0 =	simm.s32 @!p2 $0x0  }
0x16: {  	s3 =	sld [smem:$0x3FDB];
	s0 =	simm.s32 @p2 $0x1  }
0x17: {  	s4 =	simm.s32 $0x1BF5;
	[smem:$0x3FB6] =	sst s0  }
0x18: {  	s0 =	sld [smem:$0x3F99];
	_ =	swait.ge [sflag:s4], $0x0  }
0x19: {  	s7 =	sld [smem:$0x3F9A]  }
0x1a: {  	s8 =	sadd.s32 $0xFFFFE003, lr  }
0x1b: {  	s9 =	sadd.s32 $0xFFFFFEF7, lr;
	s5 =	simm.s32 $0xFFFFFFFF;
	p2 =	slt.u32 s8, $0xFFFFF086  }
0x1c: {  	p1 =	slt.u32 s9, $0xF7A;
	s5 =	simm.s32 @!p2 $0x0  }
0x1d: {  	s5 =	simm.s32 @p1 $0x1;
	p0 =	seq.s32 s7, s2  }
0x1e: {  	s7 =	smul.u32 @!p0 $0xF7A, s2;
	p2 =	seq.s32 @!p0 s5, $0x0  }
0x1f: {  	s9 =	smul.u32 $0xF7A, s1;
	s8 =	simm.s32 @!p0 $0x1BF5;
	p2 =	por !p2, p0  }
0x20: {  	[sflag:s8] =	ssyncset.s32 @!p0 $0xFFFFF086;
	s6 =	sadd.s32 @!p0 s3, s7;
	s7 =	simm.s32 @!p0 $0x108  }
0x21: {  	s3 =	sadd.s32 s3, s9;
	s6 =	sadd.s32 @!p0 $0x88, s6;
	s7 =	simm.s32 @p2 $0x1082  }
0x22: {  	[simem:s7], [sflag:s8] =	dma.local @!p0 [hbm:s6], $0xF7A  }
0x23: {  	s9 =	sor.u32 $0xD0000000, s2;
	s6 =	simm.s32 $0x108;
	_ =	swait.ge @!p0 [sflag:s8], $0x0  }
0x24: {  	s3 =	sadd.s32 $0x88, s3;
	s6 =	simm.s32 @!p1 $0x1082;
	[sflag:s4] =	ssyncset.s32 $0xFFFFF086  }
0x25: {  	[simem:s6], [sflag:s4] =	dma.local [hbm:s3], $0xF7A  }
0x26: {  	[smem:$0x3F9A] =	sst s1;
	(tag) =	ssettag s2;
	_ =	strace s9  }
0x27: {  	s1 =	sld [smem:$0x3FAA]  }
0x28: {  	s2 =	sld [smem:$0x3FAB]  }
0x29: {  	s4 =	sld [smem:$0x3FAD]  }
0x2a: {  	p0 =	seq.s32 s5, $0x0;
	s5 =	sld [smem:$0x3FAE]  }
0x2b: {  	s6 =	sld [smem:$0x3FAF]  }
0x2c: {  	s7 =	sld [smem:$0x3FB0]  }
0x2d: {  	s3 =	simm.s32 $0x108;
	s8 =	sld [smem:$0x3FB1]  }
0x2e: {  	s3 =	simm.s32 @!p0 $0x1082;
	s9 =	sld [smem:$0x3FB2]  }
0x2f: {  	lr =	sadd.s32 s0, s3;
	s0 =	sld [smem:$0x3FA9]  }
0x30: {  	s3 =	sld [smem:$0x3FAC]  }
0x31: {  	[smem:$0x3FB5] =	sst s10  }
0x32: {  	s10 =	sld [smem:$0x3FB3];
	_ =	sdelay $0x3  }
0x33: {  	p0 =	seq.s32 s10, $0x1;
	s10 =	sld [smem:$0x3FB5];
	_ =	sdelay $0x3  }
0x34: {  	[smem:$0x3FB5] =	sst s10  }
0x35: {  	s10 =	sld [smem:$0x3FB4];
	_ =	sdelay $0x3  }
0x36: {  	p1 =	seq.s32 s10, $0x1;
	s10 =	sld [smem:$0x3FB5];
	_ =	sdelay $0x3  }
0x37: {  	[smem:$0x3FB5] =	sst s10  }
0x38: {  	s10 =	sld [smem:$0x3FB6]  }
0x39: {  	_ = 	snop;
	(pc) =	sbr.ind lr, $3  }
0x3a: {  	_ = 	snop  }
0x3b: {  	_ = 	snop  }
0x3c: {  	p2 =	seq.s32 s10, $0x1;
	s10 =	sld [smem:$0x3FB5]  }
0x3d: {  	_ =	shalt  }
0x3e: {  	_ =	shalt  }
0x3f: {  	_ =	shalt  }
0x40: {  	_ =	shalt  }
0x41: {  	_ =	shalt  }
0x42: {  	_ =	shalt  }
0x43: {  	_ =	shalt  }
0x44: {  	_ =	shalt  }
0x45: {  	_ =	shalt  }
0x46: {  	_ =	shalt  }
0x47: {  	_ =	shalt  }
0x48: {  	_ =	shalt  }
0x49: {  	_ =	shalt  }
0x4a: {  	_ =	shalt  }
0x4b: {  	_ =	shalt  }
0x4c: {  	_ =	shalt  }
0x4d: {  	_ =	shalt  }
0x4e: {  	_ =	shalt  }
0x4f: {  	_ =	shalt  }
0x50: {  	_ =	shalt  }
0x51: {  	_ =	shalt  }
0x52: {  	_ =	shalt  }
0x53: {  	_ =	shalt  }
0x54: {  	_ =	shalt  }
0x55: {  	_ =	shalt  }
0x56: {  	_ =	shalt  }
0x57: {  	_ =	shalt  }
0x58: {  	_ =	shalt  }
0x59: {  	_ =	shalt  }
0x5a: {  	_ =	shalt  }
0x5b: {  	_ =	shalt  }
0x5c: {  	_ =	shalt  }
0x5d: {  	_ =	shalt  }
0x5e: {  	_ =	shalt  }
0x5f: {  	_ =	shalt  }
0x60: {  	_ =	shalt  }
0x61: {  	_ =	shalt  }
0x62: {  	_ =	shalt  }
0x63: {  	_ =	shalt  }
0x64: {  	_ =	shalt  }
0x65: {  	_ =	shalt  }
0x66: {  	_ =	shalt  }
0x67: {  	_ =	shalt  }
0x68: {  	_ =	shalt  }
0x69: {  	_ =	shalt  }
0x6a: {  	_ =	shalt  }
0x6b: {  	_ =	shalt  }
0x6c: {  	_ =	shalt  }
0x6d: {  	_ =	shalt  }
0x6e: {  	_ =	shalt  }
0x6f: {  	_ =	shalt  }
0x70: {  	_ =	shalt  }
0x71: {  	_ =	shalt  }
0x72: {  	_ =	shalt  }
0x73: {  	_ =	shalt  }
0x74: {  	_ =	shalt  }
0x75: {  	_ =	shalt  }
0x76: {  	_ =	shalt  }
0x77: {  	_ =	shalt  }
0x78: {  	_ =	shalt  }
0x79: {  	_ =	shalt  }
0x7a: {  	_ =	shalt  }
0x7b: {  	_ =	shalt  }
0x7c: {  	_ =	shalt  }
0x7d: {  	_ =	shalt  }
0x7e: {  	_ =	shalt  }
0x7f: {  	_ =	shalt  }
0x80: {  	_ =	shalt  }
0x81: {  	_ =	shalt  }
0x82: {  	_ =	shalt  }
0x83: {  	_ =	shalt  }
0x84: {  	_ =	shalt  }
0x85: {  	_ =	shalt  }
0x86: {  	_ =	shalt  }
0x87: {  	_ =	shalt  }
.Lfunc_end0:
.L_simem_size_0:
called_computation_lowered:
.L_overlay_start_0:
0x88: {  	s2 =	sld [smem:$0x3FD9]  }
0x89: {  	s3 =	sld [smem:$0x3FFE];
	_ =	sdelay $0x1  }
0x8a: {  	s1 =	srdreg.scid  }
0x8b: {  	s0 =	sand.u32 $0x1, s1  }
0x8c: {  	s15 =	sshll.u32 s0, $0xA;
	s2 =	sadd.s32 s3, s2  }
0x8d: {  	s2 =	sadd.s32 s2, s15  }
0x8e: {  	[smem:$0x3FC1] =	sst s2  }
0x8f: {  	_ = 	snop  }
0x90: {  	s2 =	sld [smem:$0x3FD0];
	_ =	sdelay $0x2  }
0x91: {  	s16 =	simm.s32 $0xA;
	s4 =	simm.s32 $0x10  }
0x92: {  	[smem:s4], [sflag:s16] =	dma.local [hbm:s2], $0x1  }
0x93: {  	_ =	swait.eq [sflag:s16], $0x1  }
0x94: {  	[sflag:s16] =	ssyncset.done $0x0  }
0x95: {  	s17 =	sld [smem:$0x10];
	[sflag:s16] =	ssyncadd.s32 $0xFFFFFFFF  }
0x96: {  	s18 =	sld [smem:$0x11];
	(tm) =	ssettm $0x1  }
0x97: {  	s19 =	sld [smem:$0x3FFB];
	_ =	sdelay $0x3  }
0x98: {  	_ =	strace s19  }
0x99: {  	s4 =	sld [smem:$0x3FFC];
	_ =	sdelay $0x3  }
0x9a: {  	_ =	strace s4  }
0x9b: {  	s4 =	sld [smem:$0x3FFD];
	_ =	sdelay $0x3  }
0x9c: {  	_ =	strace s4  }
0x9d: {  	_ =	strace $0x8FFFFFFF  }
0x9e: {  	s20 =	sld [smem:$0x3FDB];
	_ =	sdelay $0x1  }
0x9f: {  	s5 =	simm.s32 $_scs_section_size  }
0xa0: {  	s6 =	simm.s32 $_size__tile_overlayer_lowered;
	s7 =	simm.s32 $_tile_overlayer_lowered  }
0xa1: {  	s23 =	simm.s32 $0x1BFF;
	s22 =	sshll.u32 s7, $0x1;
	s4 =	sadd.s32 s5, s20  }
0xa2: {  	s8 =	simm.s32 $0x0;
	s21 =	sshll.u32 s6, $0x1;
	s6 =	sadd.s32 s22, s4  }
0xa3: {  	[timem:s8], [sflag:s23] =	dma.local [hbm:s6], s21  }
0xa4: {  	_ =	swait.ge [sflag:s23], s21  }
0xa5: {  	s5 =	ssub.s32 $0x0, s21;
	[sflag:s23] =	ssyncset.done $0x0  }
0xa6: {  	[sflag:s23] =	ssyncadd.s32 s5;
	_ =	sdelay $0x1  }
0xa7: {  	s24 =	simm.s32 $0x1B8B  }
0xa8: {  	_ =	swait.ge [sflag:s24], $0x1  }
0xa9: {  	[sflag:s24] =	ssyncset.done $0x0  }
0xaa: {  	s25 =	simm.s32 $0x1B8E;
	[sflag:s24] =	ssyncadd.s32 $0xFFFFFFFF  }
0xab: {  	s26 =	simm.s32 $execute0_lowered;
	[smem:$0x3FD2] =	sst s25  }
0xac: {  	s5 =	sshll.u32 s26, $0x1;
	_ =	strace $0x80000046;
	[dreg:$0x1] =	wrdreg $0xFFFFFFFF  }
0xad: {  	s28 =	simm.s32 $_size_execute0_lowered;
	s4 =	sadd.s32 s4, s5;
	[dreg:$0x0] =	wrdreg $0x0  }
0xae: {  	s5 =	sshll.u32 s28, $0x1;
	[dreg:$0x2] =	wrdreg s4  }
0xaf: {  	[dreg:$0x3] =	wrdreg s5  }
0xb0: {  	[dreg:$0x4] =	wrdreg $0xC0  }
0xb1: {  	_ =	task [dreg:s8], $0x5FFFF  }
0xb2: {  	[dreg:$0x1] =	wrdreg $0xFFFFFFFF  }
0xb3: {  	[dreg:$0x0] =	wrdreg $0x60  }
0xb4: {  	[dreg:$0x2] =	wrdreg s18  }
0xb5: {  	[dreg:$0x3] =	wrdreg s17  }
0xb6: {  	[dreg:$0x4] =	wrdreg $0x0  }
0xb7: {  	[dreg:$0x5] =	wrdreg $0x9  }
0xb8: {  	_ =	task.clear_ibuf [dreg:s8], $0x6FFFF;
	_ =	strace $0x90000046  }
0xb9: {  	s29 =	simm.s32 $0x9;
	_ =	strace $0x80000048  }
0xba: {  	_ =	swait.ge [sflag:s29], $0x1  }
0xbb: {  	[sflag:s29] =	ssyncadd.s32 $0xFFFFFFFF  }
0xbc: {  	_ =	strace $0x90000048  }
0xbd: {  	_ =	sfence  }
0xbe: {  	s30 =	sld [smem:$0x0];
	_ =	sdelay $0x2  }
0xbf: {  	s31 =	sshll.u32 s1, $0xD;
	s1 =	sshrl.u32 s1, $0x2  }
0xc0: {  	s3 =	sand.u32 $0x4000, s31;
	s1 =	sadd.s32 s1, s30  }
0xc1: {  	s0 =	sor.u32 s3, s0;
	s1 =	sshll.u32 s1, $0x11  }
0xc2: {  	s0 =	sor.u32 s1, s0  }
0xc3: {  	s0 =	sadd.s32 $0x8F2B, s0  }
0xc4: {  	[sflag:s0] =	ssyncadd.remote.s32 $0x1  }
0xc5: {  	_ =	sfence.sel $0xFFFF  }
0xc6: {  	[dreg:$0x0] =	wrdreg $0xFFFFFFFF;
	(pc) =	sbr.abs _section_cstart, $3  }
0xc7: {  	[dreg:$0x1] =	wrdreg $0xFFFFFFFF  }
0xc8: {  	_ =	task.clear_ibuf [dreg:s8], $0x2FFFF;
	_ =	strace $0x9FFFFFFF  }
0xc9: {  	(tm) =	ssettm $0x7FFFFFFF  }
tec
execute0_lowered:
.L_overlay_start_1:
0x0: {  	(tag) =	ssettag $0x1  }
0x1: {  	s4 =	rddreg [dreg:$0x0]  }
0x2: {  	s6 =	rddreg [dreg:$0x1]  }
0x3: {  	s1 =	rddreg [dreg:$0x2]  }
0x4: {  	s0 =	rddreg [dreg:$0x3]  }
0x5: {  	s3 =	simm.s32 $0x0;
	s5 =	srdreg.scid;
	s2 =	stileid.u32  }
0x6: {  	s12 =	simm.s32 $0x1E80;
	s15 =	simm.s32 $0x20;
	s16 =	simm.s32 $0x10  }
0x7: {  	s17 =	simm.s32 $0x0;
	[smem:$0x7FF] =	sst s3;
	s9 =	smul.u32 $0x500, s2  }
0x8: {  	s5 =	sand.u32 $0x1, s5;
	s8 =	sshll.u32 s2, $0x1;
	s10 =	smul.u32 $0xA00, s2  }
0x9: {  	s13 =	sshll.u32 s2, $0x6;
	_ =	strace $0x80000047;
	s7 =	ssub.s32 $0x2, s5  }
0xa: {  	s8 =	sor.u32 s5, s8;
	s5 =	sshll.u32 s5, $0x7;
	s13 =	sor.u32 $0x1C01, s13  }
0xb: {  	s11 =	sshrl.u32 s7, $0x1;
	s8 =	smul.u32 $0x380, s8;
	s5 =	sor.u32 s5, s9  }
0xc: {  	s30 =	sshrl.u32 s10, $0x2;
	s9 =	simm.s32 $0x1;
	s10 =	simm.s32 $0x1F00  }
0xd: {  	s7 =	ssub.s32 s7, s11;
	s31 =	sshrl.u32 s5, $0x3;
	s5 =	sadd.s32 s30, s1  }
0xe: {  	s11 =	simm.s32 $0x64;
	s4 =	sadd.s32 s4, s8;
	s6 =	sadd.s32 s6, s31  }
0xf: {  	v0 =	vimm.f32 $0.0e+00;
	v1 =	vimm.f32 $1.000000000e+00;
	s7 =	smax.u32 s7, $0x1;
	s8 =	simm.s32 $0x280;
	s14 =	sshrl.u32 s5, $0x3  }
.LBB2_1:
0x10: {  	[tilespmem:s8], [sflag:$0x1] =	stream.linear.gather [hbm4b:s4+s3], $0x1900, $0x38;
	[tilespmem:$0x2180] =	vst v63  }
0x11: {  	_ =	swait.ge [sflag:s9], $0x1900  }
0x12: {  	[sflag:s9] =	ssyncset.done $0x0  }
0x13: {  	[sflag:s9] =	ssyncadd.s32 $0xFFFFE700  }
0x14: {  	[tilespmem:$0x1F00] =	vst v0  }
0x15: {  	[tilespmem:$0x1F10] =	vst v0  }
0x16: {  	[tilespmem:$0x1F20] =	vst v0  }
0x17: {  	[tilespmem:$0x1F30] =	vst v0  }
0x18: {  	[tilespmem:$0x1F40] =	vst v0  }
0x19: {  	[tilespmem:$0x1F50] =	vst v0  }
0x1a: {  	[tilespmem:$0x1F60] =	vst v0  }
0x1b: {  	[tilespmem:$0x1F70] =	vst v0  }
0x1c: {  	[tilespmem:$0x1F80] =	vst v0  }
0x1d: {  	[tilespmem:$0x1F90] =	vst v0  }
0x1e: {  	[tilespmem:$0x1FA0] =	vst v0  }
0x1f: {  	[tilespmem:$0x1FB0] =	vst v0  }
0x20: {  	[tilespmem:$0x1FC0] =	vst v0  }
0x21: {  	[tilespmem:$0x1FD0] =	vst v0  }
0x22: {  	[tilespmem:$0x1FE0] =	vst v0  }
0x23: {  	[tilespmem:$0x1FF0] =	vst v0  }
0x24: {  	[tilespmem:$0x2000] =	vst v0  }
0x25: {  	[tilespmem:$0x2010] =	vst v0  }
0x26: {  	[tilespmem:$0x2020] =	vst v0  }
0x27: {  	[tilespmem:$0x2030] =	vst v0  }
0x28: {  	[tilespmem:$0x2040] =	vst v0  }
0x29: {  	[tilespmem:$0x2050] =	vst v0  }
0x2a: {  	[tilespmem:$0x2060] =	vst v0  }
0x2b: {  	[tilespmem:$0x2070] =	vst v0  }
0x2c: {  	[tilespmem:$0x2080] =	vst v0  }
0x2d: {  	[tilespmem:$0x2090] =	vst v0  }
0x2e: {  	[tilespmem:$0x20A0] =	vst v0  }
0x2f: {  	[tilespmem:$0x20B0] =	vst v0  }
0x30: {  	[tilespmem:$0x20C0] =	vst v0  }
0x31: {  	[tilespmem:$0x20D0] =	vst v0  }
0x32: {  	[tilespmem:$0x20E0] =	vst v0  }
0x33: {  	[tilespmem:$0x20F0] =	vst v0  }
0x34: {  	[tilespmem:$0x2100] =	vst v0  }
0x35: {  	[tilespmem:$0x2110] =	vst v0  }
0x36: {  	[tilespmem:$0x2120] =	vst v0  }
0x37: {  	[tilespmem:$0x2130] =	vst v0  }
0x38: {  	[tilespmem:$0x2140] =	vst v0  }
0x39: {  	[tilespmem:$0x2150] =	vst v0  }
0x3a: {  	[tilespmem:$0x2160] =	vst v0  }
0x3b: {  	[tilespmem:$0x2170] =	vst v0  }
0x3c: {  	[tilespmem:$0x1E80] =	vst v1  }
0x3d: {  	[tilespmem:$0x1E90] =	vst v1  }
0x3e: {  	[tilespmem:$0x1EA0] =	vst v1  }
0x3f: {  	[tilespmem:$0x1EB0] =	vst v1  }
0x40: {  	[tilespmem:$0x1EC0] =	vst v1  }
0x41: {  	[tilespmem:$0x1ED0] =	vst v1  }
0x42: {  	[tilespmem:$0x1EE0] =	vst v1  }
0x43: {  	[spmem:s5] =	stream.linear.scatter [tilespmem:s10], [sflag:$0x1], $0x280, $0x38;
	[tilespmem:$0x2180] =	vst v63  }
0x44: {  	_ =	swait.ge [sflag:s9], $0x280  }
0x45: {  	[sflag:s9] =	ssyncset.done $0x0  }
0x46: {  	[sflag:s9] =	ssyncadd.s32 $0xFFFFFD80  }
0x47: {  	s18 =	simm.s32 $0x280;
	[bflag:$0x0] =	sbarrier.arrive $0xFFFF  }
0x48: {  	[spmem:s1] =	stream.indirect.scatter.add.f32 [tilespmem:s12], [sflag:$0x1], $0x1, s18, s11, $0xb8;
	[tilespmem:$0x2180] =	vst v63  }
0x49: {  	s18 =	simm.s32 $0x200;
	_ =	swait.ge [sflag:s9], $0x64  }
.LBB2_2:
0x4a: {  	s19 =	sshra.s32 s18, $0x2;
	[sflag:s9] =	ssyncset.done $0x0;
	p0 =	sne.s32 s18, $0x6200  }
.Ltmp0:
0x4b: {  	s19 =	sadd.s32 $0x280, s19;
	[sflag:s9] =	ssyncadd.s32 $0xFFFFFF9C;
	(pc) =	sbr.rel @p0 .LBB2_2-.Ltmp0, $3  }
0x4c: {  	[spmem:s1] =	stream.indirect.scatter.add.f32 [tilespmem:s12], [sflag:$0x1], $0x1, s19, s11, $0xb8;
	[tilespmem:$0x2180] =	vst v63  }
0x4d: {  	s18 =	sadd.s32 $0x200, s18;
	_ =	sdelay $0x1  }
0x4e: {  	_ =	swait.ge [sflag:s9], $0x64  }
0x4f: {  	[sflag:s9] =	ssyncset.done $0x0;
	s17 =	sadd.s32 $0x1, s17  }
0x50: {  	[sflag:s9] =	ssyncadd.s32 $0xFFFFFF9C;
	p0 =	sne.s32 s17, s7  }
.Ltmp1:
0x51: {  	[bflag:$0x0] =	sbarrier.arrive $0xFFFF;
	(pc) =	sbr.rel @p0 .LBB2_1-.Ltmp1, $4  }
0x52: {  	[hbm:s6@s15], [sflag:s13] =	dma.strided [spmem:s14@s16], $0x50, s9, $0x10   }
0x53: {  	_ =	swait.ge [sflag:s9], $0x50  }
0x54: {  	[sflag:s9] =	ssyncset.done $0x0  }
0x55: {  	[sflag:s9] =	ssyncadd.s32 $0xFFFFFFB0  }
0x56: {  	_ =	sfence.sel $0x180000  }
0x57: {  	[bflag:$0x0] =	sbarrier.arrive $0xFFFF  }
0x58: {  	p0 =	sne.s32 s2, $0x0;
	_ =	strace $0x90000047  }
0x59: {  	s0 =	sadd.s32 @!p0 $0x100000, s0;
	[bflag:$0x2] =	sbarrier.arrive $0xFFFF  }
0x5a: {  	[sflag:s0] =	ssyncadd.tile.s32 @!p0 $0x1;
	_ =	shalt  }
.Lfunc_end2:
_tile_overlayer_lowered:
.L_overlay_start_2:
0x5b: {  	(tag) =	ssettag $0x2  }
0x5c: {  	s0 =	rddreg [dreg:$0x0];
	s2 =	stileid.u32  }
0x5d: {  	s1 =	rddreg [dreg:$0x1];
	p0 =	sne.s32 s2, $0x0  }
0x5e: {  	s3 =	rddreg [dreg:$0x2];
	[bflag:$0x3] =	sbarrier.arrive $0xFFFF;
	s2 =	simm.s32 @!p0 $0x1C01  }
0x5f: {  	[timem:s3], [sflag:s2] =	dma.local @!p0 [hbm:s0], s1  }
0x60: {  	s0 =	simm.s32 @!p0 $0x1  }
0x61: {  	_ =	swait.ge @!p0 [sflag:s0], s1  }
0x62: {  	s1 =	ssub.s32 @!p0 $0x0, s1;
	[sflag:s0] =	ssyncset.done @!p0 $0x0  }
0x63: {  	[sflag:s0] =	ssyncadd.s32 @!p0 s1  }
0x64: {  	[bflag:$0x3] =	sbarrier.arrive $0xFFFF  }
0x65: {  	_ =	shalt  }

// kernel: kernel.9.cloned.1.call-start
scs
__scs_entry_jumppad:
0x0: {  	(pc) =	sbr.rel $0x88, $3  }
0x1: {  	(tag) =	ssettag $0x0;
	lr =	simm.s32 $0x1  }
0x2: {  	[smem:$0x3F9A] =	sst lr;
	_ =	strace $0xD0000000  }
0x3: {  	_ = 	snop  }
0x4: {  	_ = 	snop  }
0x5: {  	_ = 	snop  }
0x6: {  	_ = 	snop  }
0x7: {  	_ = 	snop  }
__scs_overlays_trampoline_lowered:
0x8: {  	[smem:$0x3FA9] =	sst s0  }
0x9: {  	[smem:$0x3FAA] =	sst s1  }
0xa: {  	[smem:$0x3FAB] =	sst s2  }
0xb: {  	[smem:$0x3FAC] =	sst s3  }
0xc: {  	[smem:$0x3FAD] =	sst s4  }
0xd: {  	[smem:$0x3FAE] =	sst s5  }
0xe: {  	[smem:$0x3FAF] =	sst s6  }
0xf: {  	[smem:$0x3FB0] =	sst s7  }
0x10: {  	[smem:$0x3FB1] =	sst s8  }
0x11: {  	[smem:$0x3FB2] =	sst s9;
	s0 =	simm.s32 @!p0 $0x0  }
0x12: {  	s1 =	sld [smem:$0x3F98];
	s0 =	simm.s32 @p0 $0x1  }
0x13: {  	[smem:$0x3FB3] =	sst s0;
	s0 =	simm.s32 @!p1 $0x0  }
0x14: {  	s2 =	sld [smem:$0x3F97];
	s0 =	simm.s32 @p1 $0x1  }
0x15: {  	[smem:$0x3FB4] =	sst s0;
	s0 =	simm.s32 @!p2 $0x0  }
0x16: {  	s3 =	sld [smem:$0x3FDB];
	s0 =	simm.s32 @p2 $0x1  }
0x17: {  	s4 =	simm.s32 $0x1BF5;
	[smem:$0x3FB6] =	sst s0  }
0x18: {  	s0 =	sld [smem:$0x3F99];
	_ =	swait.ge [sflag:s4], $0x0  }
0x19: {  	s7 =	sld [smem:$0x3F9A]  }
0x1a: {  	s8 =	sadd.s32 $0xFFFFE003, lr  }
0x1b: {  	s9 =	sadd.s32 $0xFFFFFEF7, lr;
	s5 =	simm.s32 $0xFFFFFFFF;
	p2 =	slt.u32 s8, $0xFFFFF086  }
0x1c: {  	p1 =	slt.u32 s9, $0xF7A;
	s5 =	simm.s32 @!p2 $0x0  }
0x1d: {  	s5 =	simm.s32 @p1 $0x1;
	p0 =	seq.s32 s7, s2  }
0x1e: {  	s7 =	smul.u32 @!p0 $0xF7A, s2;
	p2 =	seq.s32 @!p0 s5, $0x0  }
0x1f: {  	s9 =	smul.u32 $0xF7A, s1;
	s8 =	simm.s32 @!p0 $0x1BF5;
	p2 =	por !p2, p0  }
0x20: {  	[sflag:s8] =	ssyncset.s32 @!p0 $0xFFFFF086;
	s6 =	sadd.s32 @!p0 s3, s7;
	s7 =	simm.s32 @!p0 $0x108  }
0x21: {  	s3 =	sadd.s32 s3, s9;
	s6 =	sadd.s32 @!p0 $0x88, s6;
	s7 =	simm.s32 @p2 $0x1082  }
0x22: {  	[simem:s7], [sflag:s8] =	dma.local @!p0 [hbm:s6], $0xF7A  }
0x23: {  	s9 =	sor.u32 $0xD0000000, s2;
	s6 =	simm.s32 $0x108;
	_ =	swait.ge @!p0 [sflag:s8], $0x0  }
0x24: {  	s3 =	sadd.s32 $0x88, s3;
	s6 =	simm.s32 @!p1 $0x1082;
	[sflag:s4] =	ssyncset.s32 $0xFFFFF086  }
0x25: {  	[simem:s6], [sflag:s4] =	dma.local [hbm:s3], $0xF7A  }
0x26: {  	[smem:$0x3F9A] =	sst s1;
	(tag) =	ssettag s2;
	_ =	strace s9  }
0x27: {  	s1 =	sld [smem:$0x3FAA]  }
0x28: {  	s2 =	sld [smem:$0x3FAB]  }
0x29: {  	s4 =	sld [smem:$0x3FAD]  }
0x2a: {  	p0 =	seq.s32 s5, $0x0;
	s5 =	sld [smem:$0x3FAE]  }
0x2b: {  	s6 =	sld [smem:$0x3FAF]  }
0x2c: {  	s7 =	sld [smem:$0x3FB0]  }
0x2d: {  	s3 =	simm.s32 $0x108;
	s8 =	sld [smem:$0x3FB1]  }
0x2e: {  	s3 =	simm.s32 @!p0 $0x1082;
	s9 =	sld [smem:$0x3FB2]  }
0x2f: {  	lr =	sadd.s32 s0, s3;
	s0 =	sld [smem:$0x3FA9]  }
0x30: {  	s3 =	sld [smem:$0x3FAC]  }
0x31: {  	[smem:$0x3FB5] =	sst s10  }
0x32: {  	s10 =	sld [smem:$0x3FB3];
	_ =	sdelay $0x3  }
0x33: {  	p0 =	seq.s32 s10, $0x1;
	s10 =	sld [smem:$0x3FB5];
	_ =	sdelay $0x3  }
0x34: {  	[smem:$0x3FB5] =	sst s10  }
0x35: {  	s10 =	sld [smem:$0x3FB4];
	_ =	sdelay $0x3  }
0x36: {  	p1 =	seq.s32 s10, $0x1;
	s10 =	sld [smem:$0x3FB5];
	_ =	sdelay $0x3  }
0x37: {  	[smem:$0x3FB5] =	sst s10  }
0x38: {  	s10 =	sld [smem:$0x3FB6]  }
0x39: {  	_ = 	snop;
	(pc) =	sbr.ind lr, $3  }
0x3a: {  	_ = 	snop  }
0x3b: {  	_ = 	snop  }
0x3c: {  	p2 =	seq.s32 s10, $0x1;
	s10 =	sld [smem:$0x3FB5]  }
0x3d: {  	_ =	shalt  }
0x3e: {  	_ =	shalt  }
0x3f: {  	_ =	shalt  }
0x40: {  	_ =	shalt  }
0x41: {  	_ =	shalt  }
0x42: {  	_ =	shalt  }
0x43: {  	_ =	shalt  }
0x44: {  	_ =	shalt  }
0x45: {  	_ =	shalt  }
0x46: {  	_ =	shalt  }
0x47: {  	_ =	shalt  }
0x48: {  	_ =	shalt  }
0x49: {  	_ =	shalt  }
0x4a: {  	_ =	shalt  }
0x4b: {  	_ =	shalt  }
0x4c: {  	_ =	shalt  }
0x4d: {  	_ =	shalt  }
0x4e: {  	_ =	shalt  }
0x4f: {  	_ =	shalt  }
0x50: {  	_ =	shalt  }
0x51: {  	_ =	shalt  }
0x52: {  	_ =	shalt  }
0x53: {  	_ =	shalt  }
0x54: {  	_ =	shalt  }
0x55: {  	_ =	shalt  }
0x56: {  	_ =	shalt  }
0x57: {  	_ =	shalt  }
0x58: {  	_ =	shalt  }
0x59: {  	_ =	shalt  }
0x5a: {  	_ =	shalt  }
0x5b: {  	_ =	shalt  }
0x5c: {  	_ =	shalt  }
0x5d: {  	_ =	shalt  }
0x5e: {  	_ =	shalt  }
0x5f: {  	_ =	shalt  }
0x60: {  	_ =	shalt  }
0x61: {  	_ =	shalt  }
0x62: {  	_ =	shalt  }
0x63: {  	_ =	shalt  }
0x64: {  	_ =	shalt  }
0x65: {  	_ =	shalt  }
0x66: {  	_ =	shalt  }
0x67: {  	_ =	shalt  }
0x68: {  	_ =	shalt  }
0x69: {  	_ =	shalt  }
0x6a: {  	_ =	shalt  }
0x6b: {  	_ =	shalt  }
0x6c: {  	_ =	shalt  }
0x6d: {  	_ =	shalt  }
0x6e: {  	_ =	shalt  }
0x6f: {  	_ =	shalt  }
0x70: {  	_ =	shalt  }
0x71: {  	_ =	shalt  }
0x72: {  	_ =	shalt  }
0x73: {  	_ =	shalt  }
0x74: {  	_ =	shalt  }
0x75: {  	_ =	shalt  }
0x76: {  	_ =	shalt  }
0x77: {  	_ =	shalt  }
0x78: {  	_ =	shalt  }
0x79: {  	_ =	shalt  }
0x7a: {  	_ =	shalt  }
0x7b: {  	_ =	shalt  }
0x7c: {  	_ =	shalt  }
0x7d: {  	_ =	shalt  }
0x7e: {  	_ =	shalt  }
0x7f: {  	_ =	shalt  }
0x80: {  	_ =	shalt  }
0x81: {  	_ =	shalt  }
0x82: {  	_ =	shalt  }
0x83: {  	_ =	shalt  }
0x84: {  	_ =	shalt  }
0x85: {  	_ =	shalt  }
0x86: {  	_ =	shalt  }
0x87: {  	_ =	shalt  }
.Lfunc_end0:
.L_simem_size_0:
called_computation.1_lowered:
.L_overlay_start_0:
0x88: {  	s2 =	sld [smem:$0x3FD9]  }
0x89: {  	s3 =	sld [smem:$0x3FFE];
	_ =	sdelay $0x1  }
0x8a: {  	s1 =	srdreg.scid  }
0x8b: {  	s0 =	sand.u32 $0x1, s1  }
0x8c: {  	s14 =	sshll.u32 s0, $0xA;
	s2 =	sadd.s32 s3, s2  }
0x8d: {  	s2 =	sadd.s32 s2, s14  }
0x8e: {  	[smem:$0x3FC1] =	sst s2  }
0x8f: {  	_ = 	snop  }
0x90: {  	s2 =	sld [smem:$0x3FD0];
	_ =	sdelay $0x2  }
0x91: {  	s15 =	simm.s32 $0xA;
	s4 =	simm.s32 $0x10  }
0x92: {  	[smem:s4], [sflag:s15] =	dma.local [hbm:s2], $0x1  }
0x93: {  	_ =	swait.eq [sflag:s15], $0x1  }
0x94: {  	[sflag:s15] =	ssyncset.done $0x0  }
0x95: {  	[sflag:s15] =	ssyncadd.s32 $0xFFFFFFFF  }
0x96: {  	s16 =	sld [smem:$0x11];
	(tm) =	ssettm $0x1  }
0x97: {  	s17 =	sld [smem:$0x3FFB];
	_ =	sdelay $0x3  }
0x98: {  	_ =	strace s17  }
0x99: {  	s3 =	sld [smem:$0x3FFC];
	_ =	sdelay $0x3  }
0x9a: {  	_ =	strace s3  }
0x9b: {  	s3 =	sld [smem:$0x3FFD];
	_ =	sdelay $0x3  }
0x9c: {  	_ =	strace s3  }
0x9d: {  	_ =	strace $0x8FFFFFFF  }
0x9e: {  	s18 =	sld [smem:$0x3FDB];
	_ =	sdelay $0x1  }
0x9f: {  	s19 =	simm.s32 $_scs_section_size  }
0xa0: {  	s5 =	simm.s32 $_size__tile_overlayer_lowered;
	s6 =	simm.s32 $_tile_overlayer_lowered  }
0xa1: {  	s22 =	simm.s32 $0x1BFF;
	s21 =	sshll.u32 s6, $0x1;
	s3 =	sadd.s32 s19, s18  }
0xa2: {  	s7 =	simm.s32 $0x0;
	s20 =	sshll.u32 s5, $0x1;
	s5 =	sadd.s32 s21, s3  }
0xa3: {  	[timem:s7], [sflag:s22] =	dma.local [hbm:s5], s20  }
0xa4: {  	_ =	swait.ge [sflag:s22], s20  }
0xa5: {  	s4 =	ssub.s32 $0x0, s20;
	[sflag:s22] =	ssyncset.done $0x0  }
0xa6: {  	[sflag:s22] =	ssyncadd.s32 s4;
	_ =	sdelay $0x1  }
0xa7: {  	s23 =	simm.s32 $0x1B8B  }
0xa8: {  	_ =	swait.ge [sflag:s23], $0x1  }
0xa9: {  	[sflag:s23] =	ssyncset.done $0x0  }
0xaa: {  	s25 =	simm.s32 $0x1B8E;
	s24 =	sld [smem:$0x3FFE];
	[sflag:s23] =	ssyncadd.s32 $0xFFFFFFFF  }
0xab: {  	s26 =	simm.s32 $execute0_lowered;
	[smem:$0x3FD2] =	sst s25  }
0xac: {  	s5 =	sshll.u32 s26, $0x1;
	_ =	strace $0x80000049;
	[dreg:$0x1] =	wrdreg $0xFFFFFFFF  }
0xad: {  	s28 =	simm.s32 $_size_execute0_lowered;
	s3 =	sadd.s32 s3, s5;
	[dreg:$0x0] =	wrdreg $0x0  }
0xae: {  	s5 =	sshll.u32 s28, $0x1;
	[dreg:$0x2] =	wrdreg s3  }
0xaf: {  	[dreg:$0x3] =	wrdreg s5  }
0xb0: {  	[dreg:$0x4] =	wrdreg $0xC0  }
0xb1: {  	_ =	task [dreg:s7], $0x5FFFF  }
0xb2: {  	[dreg:$0x1] =	wrdreg $0xFFFFFFFF  }
0xb3: {  	[dreg:$0x0] =	wrdreg $0x60  }
0xb4: {  	[dreg:$0x2] =	wrdreg s24  }
0xb5: {  	[dreg:$0x3] =	wrdreg s16  }
0xb6: {  	[dreg:$0x4] =	wrdreg $0x0  }
0xb7: {  	[dreg:$0x5] =	wrdreg $0x9  }
0xb8: {  	_ =	task.clear_ibuf [dreg:s7], $0x6FFFF;
	_ =	strace $0x90000049  }
0xb9: {  	s29 =	simm.s32 $0x9;
	_ =	strace $0x8000004B  }
0xba: {  	_ =	swait.ge [sflag:s29], $0x1  }
0xbb: {  	[sflag:s29] =	ssyncadd.s32 $0xFFFFFFFF  }
0xbc: {  	_ =	strace $0x9000004B  }
0xbd: {  	_ =	sfence  }
0xbe: {  	s30 =	sld [smem:$0x0];
	_ =	sdelay $0x2  }
0xbf: {  	s31 =	sshll.u32 s1, $0xD;
	s1 =	sshrl.u32 s1, $0x2  }
0xc0: {  	s3 =	sand.u32 $0x4000, s31;
	s1 =	sadd.s32 s1, s30  }
0xc1: {  	s0 =	sor.u32 s3, s0;
	s1 =	sshll.u32 s1, $0x11  }
0xc2: {  	s0 =	sor.u32 s1, s0  }
0xc3: {  	s0 =	sadd.s32 $0x8F2B, s0  }
0xc4: {  	[sflag:s0] =	ssyncadd.remote.s32 $0x1  }
0xc5: {  	_ =	sfence.sel $0xFFFF  }
0xc6: {  	[dreg:$0x0] =	wrdreg $0xFFFFFFFF;
	(pc) =	sbr.abs _section_cstart, $3  }
0xc7: {  	[dreg:$0x1] =	wrdreg $0xFFFFFFFF  }
0xc8: {  	_ =	task.clear_ibuf [dreg:s7], $0x2FFFF;
	_ =	strace $0x9FFFFFFF  }
0xc9: {  	(tm) =	ssettm $0x7FFFFFFF  }
tec
execute0_lowered:
.L_overlay_start_1:
0x0: {  	(tag) =	ssettag $0x1  }
0x1: {  	s7 =	rddreg [dreg:$0x0]  }
0x2: {  	s10 =	rddreg [dreg:$0x1]  }
0x3: {  	s1 =	rddreg [dreg:$0x2]  }
0x4: {  	s0 =	rddreg [dreg:$0x3];
	s3 =	simm.s32 $0x0;
	s4 =	srdreg.scid  }
0x5: {  	s2 =	stileid.u32;
	s15 =	simm.s32 $0x15800;
	s16 =	simm.s32 $0x50  }
0x6: {  	s17 =	simm.s32 $0x16800;
	s18 =	simm.s32 $0x1;
	[smem:$0x7FF] =	sst s3  }
0x7: {  	s9 =	sand.u32 $0x1, s4;
	s8 =	smul.u32 $0x50000, s2;
	s4 =	sadd.s32 $0xC600, s7  }
0x8: {  	s5 =	sadd.s32 $0x2600, s7;
	s6 =	sadd.s32 $0x16600, s7;
	s13 =	smul.u32 $0x14000, s2  }
0x9: {  	s7 =	sadd.s32 $0x3D800, s7;
	_ =	strace $0x8000004A;
	s11 =	smul.u32 $0x140000, s9  }
.Ltmp0:
0xa: {  	s12 =	ssub.s32 $0x2, s9;
	p0 =	seq.s32 s9, $0x1;
	(pc) =	sbr.rel .LBB2_1-.Ltmp0, $4  }
0xb: {  	s9 =	smul.u32 $0x5000, s2;
	s14 =	sshrl.u32 s12, $0x1;
	s8 =	sshrl.u32 s8, $0x2  }
0xc: {  	s12 =	ssub.s32 s12, s14;
	s8 =	sadd.s32 s8, s1;
	s11 =	sadd.s32 s13, s11  }
0xd: {  	s13 =	simm.s32 $0x2;
	s14 =	simm.s32 $0x14800;
	s11 =	sshrl.u32 s11, $0x3  }
0xe: {  	v0 =	vimm.f32 $0.0e+00;
	s10 =	sadd.s32 s10, s11;
	s11 =	smax.u32 s12, $0x1;
	s12 =	simm.s32 $0x14000  }
.LBB2_12:
0xf: {  	s3 =	sadd.s32 $0x1, s3  }
0x10: {  	s19 =	sshll.u32 s2, $0x6;
	[bflag:$0x0] =	sbarrier.arrive $0xFFFF;
	p1 =	sne.s32 s3, s11  }
.Ltmp1:
0x11: {  	s20 =	sshrl.u32 s8, $0x3;
	s19 =	sor.u32 $0x1C02, s19;
	(pc) =	sbr.rel @!p1 .LBB2_13-.Ltmp1, $4  }
0x12: {  	[hbm:s10], [sflag:s19] =	dma.local [spmem:s20], $0x2800  }
0x13: {  	_ =	swait.ge [sflag:s13], $0x2800  }
0x14: {  	[sflag:s13] =	ssyncset.done $0x0  }
0x15: {  	[sflag:s13] =	ssyncadd.s32 $0xFFFFD800  }
.LBB2_1:
0x16: {  	s19 =	simm.s32 $0x0;
	s20 =	simm.s32 $0x200  }
.LBB2_2:
0x17: {  	p1 =	sne.s32 s20, $0x1E00;
	[tilespmem:s19+$0x14070] =	vst v0  }
0x18: {  	[tilespmem:s19+$0x14000] =	vst v0  }
0x19: {  	[tilespmem:s19+$0x14010] =	vst v0  }
.Ltmp2:
0x1a: {  	[tilespmem:s19+$0x14020] =	vst v0;
	(pc) =	sbr.rel @p1 .LBB2_2-.Ltmp2, $4  }
0x1b: {  	[tilespmem:s19+$0x14030] =	vst v0  }
0x1c: {  	[tilespmem:s19+$0x14040] =	vst v0  }
0x1d: {  	[tilespmem:s19+$0x14050] =	vst v0  }
0x1e: {  	[tilespmem:s19+$0x14060] =	vst v0;
	s19 =	sshra.s32 s20, $0x2;
	s20 =	sadd.s32 $0x200, s20  }
0x1f: {  	[tilespmem:s19+$0x14070] =	vst v0  }
0x20: {  	[tilespmem:s19+$0x14000] =	vst v0  }
0x21: {  	[tilespmem:s19+$0x14010] =	vst v0  }
0x22: {  	[tilespmem:s19+$0x14020] =	vst v0  }
0x23: {  	[tilespmem:s19+$0x14030] =	vst v0  }
0x24: {  	[tilespmem:s19+$0x14040] =	vst v0  }
0x25: {  	[tilespmem:s19+$0x14050] =	vst v0  }
0x26: {  	[tilespmem:s19+$0x14060] =	vst v0;
	s31 =	sadd.s32 $0x0, s8  }
0x27: {  	[spmem:s31] =	stream.linear.scatter [tilespmem:s12], [sflag:$0x2], $0x800, $0x38;
	[tilespmem:$0x19000] =	vst v63  }
0x28: {  	s19 =	simm.s32 $0x2000;
	_ =	swait.ge [sflag:s13], $0x800  }
.LBB2_4:
0x29: {  	s20 =	sshra.s32 s19, $0x2;
	[sflag:s13] =	ssyncset.done $0x0;
	p1 =	sne.s32 s19, $0x4E000  }
.Ltmp3:
0x2a: {  	s20 =	sadd.s32 s20, s8;
	[sflag:s13] =	ssyncadd.s32 $0xFFFFF800;
	(pc) =	sbr.rel @p1 .LBB2_4-.Ltmp3, $3  }
0x2b: {  	[spmem:s20] =	stream.linear.scatter [tilespmem:s12], [sflag:$0x2], $0x800, $0x38;
	[tilespmem:$0x19000] =	vst v63  }
0x2c: {  	s19 =	sadd.s32 $0x2000, s19;
	_ =	sdelay $0x1  }
0x2d: {  	_ =	swait.ge [sflag:s13], $0x800  }
.Ltmp4:
0x2e: {  	(pc) =	sbr.rel @!p0 .LBB2_6-.Ltmp4, $4  }
0x2f: {  	[sflag:s13] =	ssyncset.done $0x0  }
0x30: {  	[sflag:s13] =	ssyncadd.s32 $0xFFFFF800  }
0x31: {  	[bflag:$0x0] =	sbarrier.arrive $0xFFFF  }
0x32: {  	s19 =	simm.s32 $0x0;
	s20 =	simm.s32 $0x0;
	s21 =	simm.s32 $0x0  }
.LBB2_9:
0x33: {  	s20 =	sshll.u32 s21, $0xC  }
0x34: {  	s20 =	sadd.s32 s9, s20  }
0x35: {  	s20 =	sshrl.u32 s20, $0x3  }
0x36: {  	s22 =	sadd.s32 s4, s20  }
0x37: {  	[tilespmem:s14], [sflag:$0x2] =	stream.linear.gather [hbm4b:s22+s19], $0xC80, $0x38;
	[tilespmem:$0x19000] =	vst v63  }
0x38: {  	_ =	swait.ge [sflag:s13], $0xC80  }
0x39: {  	[sflag:s13] =	ssyncset.done $0x0  }
0x3a: {  	s20 =	sadd.s32 s5, s20;
	[sflag:s13] =	ssyncadd.s32 $0xFFFFF380  }
0x3b: {  	[tilespmem:s15], [sflag:$0x2] =	stream.linear.gather [hbm4b:s20+s19], $0xC80, $0x38;
	[tilespmem:$0x19000] =	vst v63  }
0x3c: {  	_ =	swait.ge [sflag:s13], $0xC80  }
0x3d: {  	[sflag:s13] =	ssyncset.done $0x0  }
0x3e: {  	s30 =	simm.s32 $0x14800;
	[sflag:s13] =	ssyncadd.s32 $0xFFFFF380  }
0x3f: {  	[tilespmem:s17], [sflag:$0x1] =	stream.indirect.gather [hbm4b:s7+s16], $0x80, s30, s16, $0xb8;
	[tilespmem:$0x19000] =	vst v63  }
0x40: {  	_ =	swait.ge [sflag:s18], $0x2800  }
0x41: {  	[sflag:s18] =	ssyncset.done $0x0  }
0x42: {  	s31 =	simm.s32 $0x15800;
	[sflag:s18] =	ssyncadd.s32 $0xFFFFD800  }
0x43: {  	[spmem:s1] =	stream.indirect.scatter.add.f32 [tilespmem:s17], [sflag:$0x2], $0x80, s31, s16, $0xb8;
	[tilespmem:$0x19000] =	vst v63  }
0x44: {  	_ =	swait.ge [sflag:s13], $0x2800  }
0x45: {  	s22 =	simm.s32 $0x400;
	s20 =	simm.s32 $0x80;
	[sflag:s13] =	ssyncset.done $0x0  }
.LBB2_10:
0x46: {  	s23 =	sadd.s32 $0x14800, s20  }
0x47: {  	[sflag:s13] =	ssyncadd.s32 $0xFFFFD800;
	s24 =	smov.u32 s22;
	s25 =	sadd.s32 $0x200, s22  }
0x48: {  	[tilespmem:s17], [sflag:$0x1] =	stream.indirect.gather [hbm4b:s7+s16], $0x80, s23, s16, $0xb8;
	[tilespmem:$0x19000] =	vst v63  }
0x49: {  	p1 =	sne.s32 s22, $0x3000;
	_ =	swait.ge [sflag:s18], $0x2800  }
.Ltmp5:
0x4a: {  	[sflag:s18] =	ssyncset.done $0x0;
	(pc) =	sbr.rel @p1 .LBB2_10-.Ltmp5, $4  }
0x4b: {  	s20 =	sadd.s32 $0x15800, s20;
	[sflag:s18] =	ssyncadd.s32 $0xFFFFD800  }
0x4c: {  	[spmem:s1] =	stream.indirect.scatter.add.f32 [tilespmem:s17], [sflag:$0x2], $0x80, s20, s16, $0xb8;
	[tilespmem:$0x19000] =	vst v63  }
0x4d: {  	_ =	swait.ge [sflag:s13], $0x2800  }
0x4e: {  	s22 =	smov.u32 s25;
	s20 =	sshra.s32 s24, $0x2;
	[sflag:s13] =	ssyncset.done $0x0  }
0x4f: {  	s22 =	sadd.s32 $0x14800, s20;
	[sflag:s13] =	ssyncadd.s32 $0xFFFFD800  }
0x50: {  	[tilespmem:s17], [sflag:$0x1] =	stream.indirect.gather [hbm4b:s7+s16], $0x80, s22, s16, $0xb8;
	[tilespmem:$0x19000] =	vst v63  }
0x51: {  	_ =	swait.ge [sflag:s18], $0x2800  }
0x52: {  	s21 =	sadd.s32 $0x1, s21;
	[sflag:s18] =	ssyncset.done $0x0  }
0x53: {  	s31 =	sadd.s32 $0x15800, s20;
	p1 =	sne.s32 s21, $0x5;
	[sflag:s18] =	ssyncadd.s32 $0xFFFFD800  }
0x54: {  	[spmem:s1] =	stream.indirect.scatter.add.f32 [tilespmem:s17], [sflag:$0x2], $0x80, s31, s16, $0xb8;
	[tilespmem:$0x19000] =	vst v63  }
.Ltmp6:
0x55: {  	_ = 	snop;
	(pc) =	sbr.rel @p1 .LBB2_9-.Ltmp6, $4  }
.Ltmp7:
0x56: {  	_ = 	snop;
	(pc) =	sbr.rel @!p1 .LBB2_12-.Ltmp7, $4  }
0x57: {  	_ =	swait.ge [sflag:s13], $0x2800  }
0x58: {  	[sflag:s13] =	ssyncset.done $0x0  }
0x59: {  	[sflag:s13] =	ssyncadd.s32 $0xFFFFD800  }
0x5a: {  	_ = 	snop  }
.LBB2_6:
0x5b: {  	s21 =	sshll.u32 s20, $0xC  }
0x5c: {  	s21 =	sadd.s32 s9, s21  }
0x5d: {  	s21 =	sshrl.u32 s21, $0x3  }
0x5e: {  	s22 =	sadd.s32 s4, s21  }
0x5f: {  	[tilespmem:s14], [sflag:$0x2] =	stream.linear.gather [hbm4b:s22+s19], $0xC80, $0x38;
	[tilespmem:$0x19000] =	vst v63  }
0x60: {  	_ =	swait.ge [sflag:s13], $0xC80  }
0x61: {  	[sflag:s13] =	ssyncset.done $0x0  }
0x62: {  	s21 =	sadd.s32 s5, s21;
	[sflag:s13] =	ssyncadd.s32 $0xFFFFF380  }
0x63: {  	[tilespmem:s15], [sflag:$0x2] =	stream.linear.gather [hbm4b:s21+s19], $0xC80, $0x38;
	[tilespmem:$0x19000] =	vst v63  }
0x64: {  	_ =	swait.ge [sflag:s13], $0xC80  }
0x65: {  	[sflag:s13] =	ssyncset.done $0x0  }
0x66: {  	s30 =	simm.s32 $0x14800;
	[sflag:s13] =	ssyncadd.s32 $0xFFFFF380  }
0x67: {  	[tilespmem:s17], [sflag:$0x1] =	stream.indirect.gather [hbm4b:s6+s16], $0x80, s30, s16, $0xb8;
	[tilespmem:$0x19000] =	vst v63  }
0x68: {  	_ =	swait.ge [sflag:s18], $0x2800  }
0x69: {  	[sflag:s18] =	ssyncset.done $0x0  }
0x6a: {  	s31 =	simm.s32 $0x15800;
	[sflag:s18] =	ssyncadd.s32 $0xFFFFD800  }
0x6b: {  	[spmem:s1] =	stream.indirect.scatter.add.f32 [tilespmem:s17], [sflag:$0x2], $0x80, s31, s16, $0xb8;
	[tilespmem:$0x19000] =	vst v63  }
0x6c: {  	_ =	swait.ge [sflag:s13], $0x2800  }
0x6d: {  	s22 =	simm.s32 $0x400;
	s21 =	simm.s32 $0x80;
	[sflag:s13] =	ssyncset.done $0x0  }
.LBB2_7:
0x6e: {  	s23 =	sadd.s32 $0x14800, s21  }
0x6f: {  	[sflag:s13] =	ssyncadd.s32 $0xFFFFD800;
	s24 =	smov.u32 s22;
	s25 =	sadd.s32 $0x200, s22  }
0x70: {  	[tilespmem:s17], [sflag:$0x1] =	stream.indirect.gather [hbm4b:s6+s16], $0x80, s23, s16, $0xb8;
	[tilespmem:$0x19000] =	vst v63  }
0x71: {  	p1 =	sne.s32 s22, $0x3000;
	_ =	swait.ge [sflag:s18], $0x2800  }
.Ltmp8:
0x72: {  	[sflag:s18] =	ssyncset.done $0x0;
	(pc) =	sbr.rel @p1 .LBB2_7-.Ltmp8, $4  }
0x73: {  	s21 =	sadd.s32 $0x15800, s21;
	[sflag:s18] =	ssyncadd.s32 $0xFFFFD800  }
0x74: {  	[spmem:s1] =	stream.indirect.scatter.add.f32 [tilespmem:s17], [sflag:$0x2], $0x80, s21, s16, $0xb8;
	[tilespmem:$0x19000] =	vst v63  }
0x75: {  	_ =	swait.ge [sflag:s13], $0x2800  }
0x76: {  	s22 =	smov.u32 s25;
	s21 =	sshra.s32 s24, $0x2;
	[sflag:s13] =	ssyncset.done $0x0  }
0x77: {  	s22 =	sadd.s32 $0x14800, s21;
	[sflag:s13] =	ssyncadd.s32 $0xFFFFD800  }
0x78: {  	[tilespmem:s17], [sflag:$0x1] =	stream.indirect.gather [hbm4b:s6+s16], $0x80, s22, s16, $0xb8;
	[tilespmem:$0x19000] =	vst v63  }
0x79: {  	_ =	swait.ge [sflag:s18], $0x2800  }
0x7a: {  	s20 =	sadd.s32 $0x1, s20;
	[sflag:s18] =	ssyncset.done $0x0  }
0x7b: {  	s31 =	sadd.s32 $0x15800, s21;
	p1 =	seq.s32 s20, $0x5;
	[sflag:s18] =	ssyncadd.s32 $0xFFFFD800  }
0x7c: {  	[spmem:s1] =	stream.indirect.scatter.add.f32 [tilespmem:s17], [sflag:$0x2], $0x80, s31, s16, $0xb8;
	[tilespmem:$0x19000] =	vst v63  }
.Ltmp9:
0x7d: {  	_ = 	snop;
	(pc) =	sbr.rel @!p1 .LBB2_6-.Ltmp9, $4  }
.Ltmp10:
0x7e: {  	_ = 	snop;
	(pc) =	sbr.rel @p1 .LBB2_12-.Ltmp10, $4  }
0x7f: {  	_ =	swait.ge [sflag:s13], $0x2800  }
0x80: {  	[sflag:s13] =	ssyncset.done $0x0  }
0x81: {  	[sflag:s13] =	ssyncadd.s32 $0xFFFFD800  }
0x82: {  	_ = 	snop  }
.LBB2_13:
0x83: {  	_ =	sfence.sel $0x180000  }
0x84: {  	[bflag:$0x0] =	sbarrier.arrive $0xFFFF  }
0x85: {  	p0 =	sne.s32 s2, $0x0;
	_ =	strace $0x9000004A  }
0x86: {  	s0 =	sadd.s32 @!p0 $0x100000, s0;
	[bflag:$0x2] =	sbarrier.arrive $0xFFFF  }
0x87: {  	[sflag:s0] =	ssyncadd.tile.s32 @!p0 $0x1;
	_ =	shalt  }
.Lfunc_end2:
_tile_overlayer_lowered:
.L_overlay_start_2:
0x88: {  	(tag) =	ssettag $0x2  }
0x89: {  	s0 =	rddreg [dreg:$0x0];
	s2 =	stileid.u32  }
0x8a: {  	s1 =	rddreg [dreg:$0x1];
	p0 =	sne.s32 s2, $0x0  }
0x8b: {  	s3 =	rddreg [dreg:$0x2];
	[bflag:$0x3] =	sbarrier.arrive $0xFFFF;
	s2 =	simm.s32 @!p0 $0x1C02  }
0x8c: {  	[timem:s3], [sflag:s2] =	dma.local @!p0 [hbm:s0], s1  }
0x8d: {  	s0 =	simm.s32 @!p0 $0x2  }
0x8e: {  	_ =	swait.ge @!p0 [sflag:s0], s1  }
0x8f: {  	s1 =	ssub.s32 @!p0 $0x0, s1;
	[sflag:s0] =	ssyncset.done @!p0 $0x0  }
0x90: {  	[sflag:s0] =	ssyncadd.s32 @!p0 s1  }
0x91: {  	[bflag:$0x3] =	sbarrier.arrive $0xFFFF  }
0x92: {  	_ =	shalt  }

</sc_bundles>
